<compile_context>
chip_gen: v7x
topology: tpu7x:2x2x1
jax: 0.10.2.dev20260603
libtpu: 0.0.44.dev20260713+nightly
codegen_flags: <defaults>
</compile_context>

<pallas_src>
import jax
import jax.numpy as jnp
from jax import lax
from jax.experimental import pallas as pl
from jax.experimental.pallas import tpu as pltpu
from jax.experimental.pallas import tpu_sc as plsc

NUM_CORES = 2
NUM_SUBCORES = 16
NUM_TILES = NUM_CORES * NUM_SUBCORES
CHUNK = 80
RING = 3


def _messages(x, wt, dout, bm):
    n, din = x.shape

    def body(x_ref, wt_ref, m_ref):
        e = jnp.dot(x_ref[...], wt_ref[...], preferred_element_type=jnp.float32)
        m_ref[...] = jax.nn.sigmoid(e[:, :dout]) * e[:, dout:]

    return pl.pallas_call(
        body,
        grid=(n // bm,),
        in_specs=[
            pl.BlockSpec((bm, din), lambda i: (i, 0)),
            pl.BlockSpec((din, 2 * dout), lambda i: (0, 0)),
        ],
        out_specs=pl.BlockSpec((bm, dout), lambda i: (i, 0)),
        out_shape=jax.ShapeDtypeStruct((n, dout), jnp.float32),
    )(x, wt)


def _sc_scatter(m, src, tgt, zeros, n_chunks):
    n, d = zeros.shape
    rows_per_sub = n // NUM_SUBCORES
    per_tile = n_chunks * CHUNK

    def body(m_hbm, src_hbm, tgt_hbm, zero_hbm, out_hbm, idx_t, *bufs):
        idx_s = list(bufs[0:RING])
        rows = list(bufs[RING:2 * RING])
        acc = bufs[2 * RING]
        semg = list(bufs[2 * RING + 1:3 * RING + 1])
        semi = list(bufs[3 * RING + 1:4 * RING + 1])
        c = lax.axis_index("c")
        s = lax.axis_index("s")
        wid = c * NUM_SUBCORES + s
        base = wid * per_tile

        def icopy(ci, k):
            pltpu.async_copy(src_hbm.at[wid, ci], idx_s[k], semi[k])

        def iwait(k):
            pltpu.make_async_copy(src_hbm.at[0, 0], idx_s[k], semi[k]).wait()

        def gather(ci, k):
            pltpu.async_copy(m_hbm.at[idx_t.at[pl.ds(ci * CHUNK, CHUNK)]],
                             rows[k], semg[k])

        def gwait(k):
            pltpu.make_async_copy(m_hbm.at[idx_t.at[pl.ds(0, CHUNK)]],
                                  rows[k], semg[k]).wait()

        def scat(k):
            pltpu.sync_copy(rows[k], acc.at[idx_s[k].at[0]], add=True)

        pltpu.sync_copy(tgt_hbm.at[pl.ds(base, per_tile)], idx_t)
        for k in range(RING):
            icopy(k, k)
            gather(k, k)
        pltpu.sync_copy(zero_hbm.at[pl.ds(s * rows_per_sub, rows_per_sub)],
                        acc.at[pl.ds(s * rows_per_sub, rows_per_sub)])
        plsc.subcore_barrier()

        def step(i, carry):
            g = RING * i
            for k in range(RING):
                iwait(k)
                gwait(k)
                scat(k)
                icopy(g + RING + k, k)
                gather(g + RING + k, k)
            return carry

        lax.fori_loop(0, n_chunks // RING - 1, step, 0)
        for k in range(RING):
            iwait(k)
            gwait(k)
            scat(k)

        plsc.subcore_barrier()
        pltpu.sync_copy(acc.at[pl.ds(s * rows_per_sub, rows_per_sub)],
                        out_hbm.at[c, pl.ds(s * rows_per_sub, rows_per_sub)])

    fn = pl.kernel(
        body,
        out_type=jax.ShapeDtypeStruct((NUM_CORES, n, d), jnp.float32),
        mesh=plsc.VectorSubcoreMesh(core_axis_name="c", subcore_axis_name="s"),
        scratch_types=(
            [pltpu.VMEM((per_tile,), jnp.int32)]
            + [pltpu.VMEM((1, CHUNK), jnp.int32) for _ in range(RING)]
            + [pltpu.VMEM((CHUNK, d), jnp.float32) for _ in range(RING)]
            + [pltpu.VMEM_SHARED((n, d), jnp.float32)]
            + [pltpu.SemaphoreType.DMA for _ in range(2 * RING)]
        ),
    )
    return fn(m, src, tgt, zeros)


def _combine(x, a0, a1, bm):
    n, d = x.shape

    def body(x_ref, a_ref, b_ref, o_ref):
        o_ref[...] = x_ref[...] + a_ref[...] + b_ref[...]

    spec = pl.BlockSpec((bm, d), lambda i: (i, 0))
    return pl.pallas_call(
        body,
        grid=(n // bm,),
        in_specs=[spec, spec, spec],
        out_specs=spec,
        out_shape=jax.ShapeDtypeStruct((n, d), jnp.float32),
    )(x, a0, a1)


def kernel(input, edge_sources, edge_targets, W):
    x = input
    n, din = x.shape
    dout = W.shape[0] // 2
    n_edges = edge_sources.shape[0]

    m = _messages(x, W.T, dout, bm=1000)

    group = NUM_TILES * CHUNK * RING
    n_pad = (-n_edges) % group
    src = edge_sources.astype(jnp.int32)
    tgt = edge_targets.astype(jnp.int32)
    m_g = jnp.concatenate([m, jnp.zeros((8, dout), jnp.float32)], axis=0)
    if n_pad:
        src = jnp.concatenate([src, jnp.zeros((n_pad,), jnp.int32)])
        tgt = jnp.concatenate([tgt, jnp.full((n_pad,), n, jnp.int32)])
    per_tile = (n_edges + n_pad) // NUM_TILES
    n_chunks = per_tile // CHUNK
    src = src.reshape(NUM_TILES, n_chunks, 1, CHUNK)

    n_acc = ((n + 127) // 128) * 128
    zeros = jnp.zeros((n_acc, dout), jnp.float32)
    accs = _sc_scatter(m_g, src, tgt, zeros, n_chunks)

    return _combine(x, accs[0, :n, :], accs[1, :n, :], bm=1000)

# --- scband reference (transcript-rebuilt; emitter-appended) ---
"""Pipeline reference for scband-gated-graph-convolution-1726576856964 (READ-ONLY COPY).

The authoritative reference and input builder live on the scoring server;
editing this copy changes nothing except your own understanding.
"""

import jax, jax.numpy as jnp
import numpy as np

N_NODES = 10000
N_EDGES = 320000
D_IN = 128
D_OUT = 128

def setup_inputs(seed: int = 0) -> dict:
    key = jax.random.key(seed)
    k1, k2, k3, k4 = jax.random.split(key, 4)
    x = jax.random.normal(k1, (N_NODES, D_IN), dtype=jnp.float32)
    edge_sources = jax.random.randint(k2, (N_EDGES,), 0, N_NODES)
    edge_targets = jax.random.randint(k3, (N_EDGES,), 0, N_NODES)
    # Linear(in_features, 2*out_features, bias=False): torch convention W [2*out, in]
    W = jax.random.normal(k4, (2 * D_OUT, D_IN), dtype=jnp.float32) * (1.0 / np.sqrt(D_IN))
    return {"input": x, "edge_sources": edge_sources, "edge_targets": edge_targets, "W": W}

def reference(input, edge_sources, edge_targets, W):
    # h = input[edge_targets] (gather on target nodes)
    h = jnp.take(input, edge_targets, axis=0)
    # edge_network is None -> e = h; linear_h is None -> e = linear(e), chunk into (g, e)
    e = h @ W.T
    g, e = jnp.split(e, 2, axis=1)
    # gate_activation = Sigmoid (no batch norm)
    g = jax.nn.sigmoid(g)
    # edge_activation is None, postconv_network is None:
    # output = input.clone(); output.index_add_(0, edge_sources, g * e)
    output = input.at[edge_sources].add(g * e)
    # node_activation is None
    return output

if __name__ == "__main__":
    import jax
    _d = setup_inputs()
    print(jax.jit(kernel)(*tuple(_d.values())))

</pallas_src>

<mosaic_0001>
#map = affine_map<(d0, d1) -> (0, 0)>
#map1 = affine_map<(d0, d1) -> (0, 0, 0, 0)>
#map2 = affine_map<(d0, d1) -> (0)>
#map3 = affine_map<(d0, d1) -> (0, 0, 0)>
module attributes {stable_mosaic.version = 14 : i64} {
  func.func @body(%arg0: i32, %arg1: i32, %arg2: memref<10008x128xf32, #tpu.memory_space<hbm>>, %arg3: memref<32x126x1x80xi32, #tpu.memory_space<hbm>>, %arg4: memref<322560xi32, #tpu.memory_space<hbm>>, %arg5: memref<10112x128xf32, #tpu.memory_space<hbm>>, %arg6: memref<2x10112x128xf32, #tpu.memory_space<hbm>>, %arg7: memref<10080xi32, #tpu.memory_space<vmem>>, %arg8: memref<1x80xi32, #tpu.memory_space<vmem>>, %arg9: memref<1x80xi32, #tpu.memory_space<vmem>>, %arg10: memref<1x80xi32, #tpu.memory_space<vmem>>, %arg11: memref<80x128xf32, #tpu.memory_space<vmem>>, %arg12: memref<80x128xf32, #tpu.memory_space<vmem>>, %arg13: memref<80x128xf32, #tpu.memory_space<vmem>>, %arg14: memref<10112x128xf32, #tpu.memory_space<vmem_shared>>, %arg15: memref<!tpu.dma_semaphore, #tpu.memory_space<semaphore_mem>>, %arg16: memref<!tpu.dma_semaphore, #tpu.memory_space<semaphore_mem>>, %arg17: memref<!tpu.dma_semaphore, #tpu.memory_space<semaphore_mem>>, %arg18: memref<!tpu.dma_semaphore, #tpu.memory_space<semaphore_mem>>, %arg19: memref<!tpu.dma_semaphore, #tpu.memory_space<semaphore_mem>>, %arg20: memref<!tpu.dma_semaphore, #tpu.memory_space<semaphore_mem>>) attributes {dimension_semantics = [#tpu.dimension_semantics<core_parallel>, #tpu.dimension_semantics<subcore_parallel>], iteration_bounds = array<i64: 2, 16>, scalar_prefetch = 0 : i64, scratch_operands = 14 : i64, tpu.core_type = #tpu.core_type<sc_vector_subcore>, window_params = [{transform_indices = #map}, {transform_indices = #map1}, {transform_indices = #map2}, {transform_indices = #map}, {transform_indices = #map3}]} {
    %mul3A = arith.constant 16 : i32
    %mul3A_0 = arith.muli %arg0, %mul3A : i32
    %add3A = arith.addi %mul3A_0, %arg1 : i32
    %mul3A_1 = arith.constant 10080 : i32
    %mul3A_2 = arith.muli %add3A, %mul3A_1 : i32
    "tpu.region"() ({
      %run_scoped3A_104 = tpu.sem_alloc : memref<!tpu.dma_semaphore, #tpu.memory_space<semaphore_mem>>
      %dma_start3A_105 = tpu.memref_slice %arg4[%mul3A_2] : memref<322560xi32, #tpu.memory_space<hbm>> -> memref<10080xi32, #tpu.memory_space<hbm>>
      %dma_start3A_106 = tpu.memref_slice %arg4[%mul3A_2] : memref<322560xi32, #tpu.memory_space<hbm>> -> memref<10080xi32, #tpu.memory_space<hbm>>
      tpu.enqueue_dma source(%dma_start3A_106 : memref<10080xi32, #tpu.memory_space<hbm>>) target(%arg7 : memref<10080xi32, #tpu.memory_space<vmem>>) target_semaphore(%run_scoped3A_104 : memref<!tpu.dma_semaphore, #tpu.memory_space<semaphore_mem>>)
      %dma_wait3A_107 = tpu.memref_slice %arg4[%mul3A_2] : memref<322560xi32, #tpu.memory_space<hbm>> -> memref<10080xi32, #tpu.memory_space<hbm>>
      %dma_wait3A_108 = tpu.memref_slice %arg4[%mul3A_2] : memref<322560xi32, #tpu.memory_space<hbm>> -> memref<10080xi32, #tpu.memory_space<hbm>>
      tpu.wait_dma2 semaphore(%run_scoped3A_104 : memref<!tpu.dma_semaphore, #tpu.memory_space<semaphore_mem>>) src(%dma_wait3A_108 : memref<10080xi32, #tpu.memory_space<hbm>>) dst(%arg7 : memref<10080xi32, #tpu.memory_space<vmem>>)
      tpu.yield
    }) : () -> ()
    %dma_start3A = arith.constant 0 : i32
    %dma_start3A_3 = arith.constant 0 : i32
    %dma_start3A_4 = arith.constant 0 : i32
    %dma_start3A_5 = tpu.memref_slice %arg3[%add3A, %dma_start3A, %dma_start3A_3, %dma_start3A_4] : memref<32x126x1x80xi32, #tpu.memory_space<hbm>> -> memref<1x1x1x80xi32, #tpu.memory_space<hbm>>
    %dma_start3A_6 = tpu.memref_squeeze %dma_start3A_5 : memref<1x1x1x80xi32, #tpu.memory_space<hbm>> -> memref<1x80xi32, #tpu.memory_space<hbm>>
    %dma_start3A_7 = arith.constant 0 : i32
    %dma_start3A_8 = arith.constant 0 : i32
    %dma_start3A_9 = tpu.memref_slice %arg3[%add3A, %dma_start3A, %dma_start3A_7, %dma_start3A_8] : memref<32x126x1x80xi32, #tpu.memory_space<hbm>> -> memref<1x1x1x80xi32, #tpu.memory_space<hbm>>
    %dma_start3A_10 = tpu.memref_squeeze %dma_start3A_9 : memref<1x1x1x80xi32, #tpu.memory_space<hbm>> -> memref<1x80xi32, #tpu.memory_space<hbm>>
    tpu.enqueue_dma source(%dma_start3A_10 : memref<1x80xi32, #tpu.memory_space<hbm>>) target(%arg8 : memref<1x80xi32, #tpu.memory_space<vmem>>) target_semaphore(%arg18 : memref<!tpu.dma_semaphore, #tpu.memory_space<semaphore_mem>>)
    %dma_start3A_11 = arith.constant 0 : i32
    %dma_start3A_12 = tpu.memref_slice %arg7[%dma_start3A_11] : memref<10080xi32, #tpu.memory_space<vmem>> -> memref<80xi32, #tpu.memory_space<vmem>>
    %dma_start3A_13 = arith.constant 0 : i32
    %dma_start3A_14 = arith.constant 0 : i32
    %dma_start3A_15 = tpu.memref_slice %arg2[%dma_start3A_13, %dma_start3A_14] : memref<10008x128xf32, #tpu.memory_space<hbm>> -> memref<10008x128xf32, #tpu.memory_space<hbm>>
    tpu.enqueue_indirect_dma source(%dma_start3A_15 : memref<10008x128xf32, #tpu.memory_space<hbm>>) target(%arg11 : memref<80x128xf32, #tpu.memory_space<vmem>>) offsets(%dma_start3A_12 : memref<80xi32, #tpu.memory_space<vmem>>) semaphore(%arg15 : memref<!tpu.dma_semaphore, #tpu.memory_space<semaphore_mem>>)
    %dma_start3A_16 = arith.constant 1 : i32
    %dma_start3A_17 = arith.constant 0 : i32
    %dma_start3A_18 = arith.constant 0 : i32
    %dma_start3A_19 = tpu.memref_slice %arg3[%add3A, %dma_start3A_16, %dma_start3A_17, %dma_start3A_18] : memref<32x126x1x80xi32, #tpu.memory_space<hbm>> -> memref<1x1x1x80xi32, #tpu.memory_space<hbm>>
    %dma_start3A_20 = tpu.memref_squeeze %dma_start3A_19 : memref<1x1x1x80xi32, #tpu.memory_space<hbm>> -> memref<1x80xi32, #tpu.memory_space<hbm>>
    %dma_start3A_21 = arith.constant 0 : i32
    %dma_start3A_22 = arith.constant 0 : i32
    %dma_start3A_23 = tpu.memref_slice %arg3[%add3A, %dma_start3A_16, %dma_start3A_21, %dma_start3A_22] : memref<32x126x1x80xi32, #tpu.memory_space<hbm>> -> memref<1x1x1x80xi32, #tpu.memory_space<hbm>>
    %dma_start3A_24 = tpu.memref_squeeze %dma_start3A_23 : memref<1x1x1x80xi32, #tpu.memory_space<hbm>> -> memref<1x80xi32, #tpu.memory_space<hbm>>
    tpu.enqueue_dma source(%dma_start3A_24 : memref<1x80xi32, #tpu.memory_space<hbm>>) target(%arg9 : memref<1x80xi32, #tpu.memory_space<vmem>>) target_semaphore(%arg19 : memref<!tpu.dma_semaphore, #tpu.memory_space<semaphore_mem>>)
    %dma_start3A_25 = arith.constant 80 : i32
    %dma_start3A_26 = tpu.memref_slice %arg7[%dma_start3A_25] : memref<10080xi32, #tpu.memory_space<vmem>> -> memref<80xi32, #tpu.memory_space<vmem>>
    %dma_start3A_27 = arith.constant 0 : i32
    %dma_start3A_28 = arith.constant 0 : i32
    %dma_start3A_29 = tpu.memref_slice %arg2[%dma_start3A_27, %dma_start3A_28] : memref<10008x128xf32, #tpu.memory_space<hbm>> -> memref<10008x128xf32, #tpu.memory_space<hbm>>
    tpu.enqueue_indirect_dma source(%dma_start3A_29 : memref<10008x128xf32, #tpu.memory_space<hbm>>) target(%arg12 : memref<80x128xf32, #tpu.memory_space<vmem>>) offsets(%dma_start3A_26 : memref<80xi32, #tpu.memory_space<vmem>>) semaphore(%arg16 : memref<!tpu.dma_semaphore, #tpu.memory_space<semaphore_mem>>)
    %dma_start3A_30 = arith.constant 2 : i32
    %dma_start3A_31 = arith.constant 0 : i32
    %dma_start3A_32 = arith.constant 0 : i32
    %dma_start3A_33 = tpu.memref_slice %arg3[%add3A, %dma_start3A_30, %dma_start3A_31, %dma_start3A_32] : memref<32x126x1x80xi32, #tpu.memory_space<hbm>> -> memref<1x1x1x80xi32, #tpu.memory_space<hbm>>
    %dma_start3A_34 = tpu.memref_squeeze %dma_start3A_33 : memref<1x1x1x80xi32, #tpu.memory_space<hbm>> -> memref<1x80xi32, #tpu.memory_space<hbm>>
    %dma_start3A_35 = arith.constant 0 : i32
    %dma_start3A_36 = arith.constant 0 : i32
    %dma_start3A_37 = tpu.memref_slice %arg3[%add3A, %dma_start3A_30, %dma_start3A_35, %dma_start3A_36] : memref<32x126x1x80xi32, #tpu.memory_space<hbm>> -> memref<1x1x1x80xi32, #tpu.memory_space<hbm>>
    %dma_start3A_38 = tpu.memref_squeeze %dma_start3A_37 : memref<1x1x1x80xi32, #tpu.memory_space<hbm>> -> memref<1x80xi32, #tpu.memory_space<hbm>>
    tpu.enqueue_dma source(%dma_start3A_38 : memref<1x80xi32, #tpu.memory_space<hbm>>) target(%arg10 : memref<1x80xi32, #tpu.memory_space<vmem>>) target_semaphore(%arg20 : memref<!tpu.dma_semaphore, #tpu.memory_space<semaphore_mem>>)
    %dma_start3A_39 = arith.constant 160 : i32
    %dma_start3A_40 = tpu.memref_slice %arg7[%dma_start3A_39] : memref<10080xi32, #tpu.memory_space<vmem>> -> memref<80xi32, #tpu.memory_space<vmem>>
    %dma_start3A_41 = arith.constant 0 : i32
    %dma_start3A_42 = arith.constant 0 : i32
    %dma_start3A_43 = tpu.memref_slice %arg2[%dma_start3A_41, %dma_start3A_42] : memref<10008x128xf32, #tpu.memory_space<hbm>> -> memref<10008x128xf32, #tpu.memory_space<hbm>>
    tpu.enqueue_indirect_dma source(%dma_start3A_43 : memref<10008x128xf32, #tpu.memory_space<hbm>>) target(%arg13 : memref<80x128xf32, #tpu.memory_space<vmem>>) offsets(%dma_start3A_40 : memref<80xi32, #tpu.memory_space<vmem>>) semaphore(%arg17 : memref<!tpu.dma_semaphore, #tpu.memory_space<semaphore_mem>>)
    %mul3A_44 = arith.constant 632 : i32
    %mul3A_45 = arith.muli %arg1, %mul3A_44 : i32
    %mul3A_46 = arith.constant 632 : i32
    %mul3A_47 = arith.muli %arg1, %mul3A_46 : i32
    "tpu.region"() ({
      %run_scoped3A_104 = tpu.sem_alloc : memref<!tpu.dma_semaphore, #tpu.memory_space<semaphore_mem>>
      %dma_start3A_105 = arith.constant 0 : i32
      %dma_start3A_106 = tpu.memref_slice %arg14[%mul3A_47, %dma_start3A_105] : memref<10112x128xf32, #tpu.memory_space<vmem_shared>> -> memref<632x128xf32, #tpu.memory_space<vmem_shared>>
      %dma_start3A_107 = arith.constant 0 : i32
      %dma_start3A_108 = tpu.memref_slice %arg5[%mul3A_45, %dma_start3A_107] : memref<10112x128xf32, #tpu.memory_space<hbm>> -> memref<632x128xf32, #tpu.memory_space<hbm>>
      tpu.enqueue_dma source(%dma_start3A_108 : memref<632x128xf32, #tpu.memory_space<hbm>>) target(%dma_start3A_106 : memref<632x128xf32, #tpu.memory_space<vmem_shared>>) target_semaphore(%run_scoped3A_104 : memref<!tpu.dma_semaphore, #tpu.memory_space<semaphore_mem>>)
      %dma_wait3A_109 = arith.constant 0 : i32
      %dma_wait3A_110 = tpu.memref_slice %arg14[%mul3A_47, %dma_wait3A_109] : memref<10112x128xf32, #tpu.memory_space<vmem_shared>> -> memref<632x128xf32, #tpu.memory_space<vmem_shared>>
      %dma_wait3A_111 = arith.constant 0 : i32
      %dma_wait3A_112 = tpu.memref_slice %arg5[%mul3A_45, %dma_wait3A_111] : memref<10112x128xf32, #tpu.memory_space<hbm>> -> memref<632x128xf32, #tpu.memory_space<hbm>>
      tpu.wait_dma2 semaphore(%run_scoped3A_104 : memref<!tpu.dma_semaphore, #tpu.memory_space<semaphore_mem>>) src(%dma_wait3A_112 : memref<632x128xf32, #tpu.memory_space<hbm>>) dst(%dma_wait3A_110 : memref<632x128xf32, #tpu.memory_space<vmem_shared>>)
      tpu.yield
    }) : () -> ()
    %barrier3A = arith.constant 0 : index
    tpu.barrier barrier_id(%barrier3A)
    %scan3A = arith.constant 0 : i32
    %scan3A_48 = arith.constant 0 : i32
    %scan3A_49 = arith.constant 41 : i32
    %scan3A_50 = arith.addi %scan3A_48, %scan3A_49 : i32
    %scan3A_51 = arith.constant 1 : i32
    scf.for %scan3A_104 = %scan3A_48 to %scan3A_50 step %scan3A_51  : i32 {
      %mul3A_105 = arith.constant 3 : i32
      %mul3A_106 = arith.muli %mul3A_105, %scan3A_104 : i32
      %dma_wait3A_107 = arith.constant 0 : i32
      %dma_wait3A_108 = arith.constant 0 : i32
      %dma_wait3A_109 = arith.constant 0 : i32
      %dma_wait3A_110 = arith.constant 0 : i32
      %dma_wait3A_111 = tpu.memref_slice %arg3[%dma_wait3A_107, %dma_wait3A_108, %dma_wait3A_109, %dma_wait3A_110] : memref<32x126x1x80xi32, #tpu.memory_space<hbm>> -> memref<1x1x1x80xi32, #tpu.memory_space<hbm>>
      %dma_wait3A_112 = tpu.memref_squeeze %dma_wait3A_111 : memref<1x1x1x80xi32, #tpu.memory_space<hbm>> -> memref<1x80xi32, #tpu.memory_space<hbm>>
      %dma_wait3A_113 = arith.constant 0 : i32
      %dma_wait3A_114 = arith.constant 0 : i32
      %dma_wait3A_115 = tpu.memref_slice %arg3[%dma_wait3A_107, %dma_wait3A_108, %dma_wait3A_113, %dma_wait3A_114] : memref<32x126x1x80xi32, #tpu.memory_space<hbm>> -> memref<1x1x1x80xi32, #tpu.memory_space<hbm>>
      %dma_wait3A_116 = tpu.memref_squeeze %dma_wait3A_115 : memref<1x1x1x80xi32, #tpu.memory_space<hbm>> -> memref<1x80xi32, #tpu.memory_space<hbm>>
      tpu.wait_dma2 semaphore(%arg18 : memref<!tpu.dma_semaphore, #tpu.memory_space<semaphore_mem>>) src(%dma_wait3A_116 : memref<1x80xi32, #tpu.memory_space<hbm>>) dst(%arg8 : memref<1x80xi32, #tpu.memory_space<vmem>>)
      %dma_wait3A_117 = arith.constant 0 : i32
      %dma_wait3A_118 = tpu.memref_slice %arg7[%dma_wait3A_117] : memref<10080xi32, #tpu.memory_space<vmem>> -> memref<80xi32, #tpu.memory_space<vmem>>
      %dma_wait3A_119 = arith.constant 0 : i32
      %dma_wait3A_120 = arith.constant 0 : i32
      %dma_wait3A_121 = tpu.memref_slice %arg2[%dma_wait3A_119, %dma_wait3A_120] : memref<10008x128xf32, #tpu.memory_space<hbm>> -> memref<10008x128xf32, #tpu.memory_space<hbm>>
      tpu.wait_indirect_dma semaphore(%arg15 : memref<!tpu.dma_semaphore, #tpu.memory_space<semaphore_mem>>) src(%dma_wait3A_121 : memref<10008x128xf32, #tpu.memory_space<hbm>>) dst(%arg11 : memref<80x128xf32, #tpu.memory_space<vmem>>)
      %run_scoped3A_122 = arith.constant 0 : i32
      "tpu.region"() ({
        %run_scoped3A_221 = tpu.sem_alloc : memref<!tpu.dma_semaphore, #tpu.memory_space<semaphore_mem>>
        %dma_start3A_222 = arith.constant 0 : i32
        %dma_start3A_223 = tpu.memref_slice %arg8[%run_scoped3A_122, %dma_start3A_222] : memref<1x80xi32, #tpu.memory_space<vmem>> -> memref<1x80xi32, #tpu.memory_space<vmem>>
        %dma_start3A_224 = tpu.memref_squeeze %dma_start3A_223 : memref<1x80xi32, #tpu.memory_space<vmem>> -> memref<80xi32, #tpu.memory_space<vmem>>
        %dma_start3A_225 = arith.constant 0 : i32
        %dma_start3A_226 = arith.constant 0 : i32
        %dma_start3A_227 = tpu.memref_slice %arg14[%dma_start3A_225, %dma_start3A_226] : memref<10112x128xf32, #tpu.memory_space<vmem_shared>> -> memref<10112x128xf32, #tpu.memory_space<vmem_shared>>
        tpu.enqueue_indirect_dma source(%arg11 : memref<80x128xf32, #tpu.memory_space<vmem>>) target(%dma_start3A_227 : memref<10112x128xf32, #tpu.memory_space<vmem_shared>>) offsets(%dma_start3A_224 : memref<80xi32, #tpu.memory_space<vmem>>) semaphore(%run_scoped3A_221 : memref<!tpu.dma_semaphore, #tpu.memory_space<semaphore_mem>>) {add = true}
        %dma_wait3A_228 = arith.constant 0 : i32
        %dma_wait3A_229 = tpu.memref_slice %arg8[%run_scoped3A_122, %dma_wait3A_228] : memref<1x80xi32, #tpu.memory_space<vmem>> -> memref<1x80xi32, #tpu.memory_space<vmem>>
        %dma_wait3A_230 = tpu.memref_squeeze %dma_wait3A_229 : memref<1x80xi32, #tpu.memory_space<vmem>> -> memref<80xi32, #tpu.memory_space<vmem>>
        %dma_wait3A_231 = arith.constant 0 : i32
        %dma_wait3A_232 = arith.constant 0 : i32
        %dma_wait3A_233 = tpu.memref_slice %arg14[%dma_wait3A_231, %dma_wait3A_232] : memref<10112x128xf32, #tpu.memory_space<vmem_shared>> -> memref<10112x128xf32, #tpu.memory_space<vmem_shared>>
        tpu.wait_indirect_dma semaphore(%run_scoped3A_221 : memref<!tpu.dma_semaphore, #tpu.memory_space<semaphore_mem>>) src(%arg11 : memref<80x128xf32, #tpu.memory_space<vmem>>) dst(%dma_wait3A_233 : memref<10112x128xf32, #tpu.memory_space<vmem_shared>>)
        tpu.yield
      }) : () -> ()
      %add3A_123 = arith.constant 3 : i32
      %add3A_124 = arith.addi %mul3A_106, %add3A_123 : i32
      %add3A_125 = arith.constant 0 : i32
      %add3A_126 = arith.addi %add3A_124, %add3A_125 : i32
      %dma_start3A_127 = arith.constant 0 : i32
      %dma_start3A_128 = arith.constant 0 : i32
      %dma_start3A_129 = tpu.memref_slice %arg3[%add3A, %add3A_126, %dma_start3A_127, %dma_start3A_128] : memref<32x126x1x80xi32, #tpu.memory_space<hbm>> -> memref<1x1x1x80xi32, #tpu.memory_space<hbm>>
      %dma_start3A_130 = tpu.memref_squeeze %dma_start3A_129 : memref<1x1x1x80xi32, #tpu.memory_space<hbm>> -> memref<1x80xi32, #tpu.memory_space<hbm>>
      %dma_start3A_131 = arith.constant 0 : i32
      %dma_start3A_132 = arith.constant 0 : i32
      %dma_start3A_133 = tpu.memref_slice %arg3[%add3A, %add3A_126, %dma_start3A_131, %dma_start3A_132] : memref<32x126x1x80xi32, #tpu.memory_space<hbm>> -> memref<1x1x1x80xi32, #tpu.memory_space<hbm>>
      %dma_start3A_134 = tpu.memref_squeeze %dma_start3A_133 : memref<1x1x1x80xi32, #tpu.memory_space<hbm>> -> memref<1x80xi32, #tpu.memory_space<hbm>>
      tpu.enqueue_dma source(%dma_start3A_134 : memref<1x80xi32, #tpu.memory_space<hbm>>) target(%arg8 : memref<1x80xi32, #tpu.memory_space<vmem>>) target_semaphore(%arg18 : memref<!tpu.dma_semaphore, #tpu.memory_space<semaphore_mem>>)
      %add3A_135 = arith.constant 3 : i32
      %add3A_136 = arith.addi %mul3A_106, %add3A_135 : i32
      %add3A_137 = arith.constant 0 : i32
      %add3A_138 = arith.addi %add3A_136, %add3A_137 : i32
      %mul3A_139 = arith.constant 80 : i32
      %mul3A_140 = arith.muli %add3A_138, %mul3A_139 : i32
      %dma_start3A_141 = tpu.memref_slice %arg7[%mul3A_140] : memref<10080xi32, #tpu.memory_space<vmem>> -> memref<80xi32, #tpu.memory_space<vmem>>
      %dma_start3A_142 = arith.constant 0 : i32
      %dma_start3A_143 = arith.constant 0 : i32
      %dma_start3A_144 = tpu.memref_slice %arg2[%dma_start3A_142, %dma_start3A_143] : memref<10008x128xf32, #tpu.memory_space<hbm>> -> memref<10008x128xf32, #tpu.memory_space<hbm>>
      tpu.enqueue_indirect_dma source(%dma_start3A_144 : memref<10008x128xf32, #tpu.memory_space<hbm>>) target(%arg11 : memref<80x128xf32, #tpu.memory_space<vmem>>) offsets(%dma_start3A_141 : memref<80xi32, #tpu.memory_space<vmem>>) semaphore(%arg15 : memref<!tpu.dma_semaphore, #tpu.memory_space<semaphore_mem>>)
      %dma_wait3A_145 = arith.constant 0 : i32
      %dma_wait3A_146 = arith.constant 0 : i32
      %dma_wait3A_147 = arith.constant 0 : i32
      %dma_wait3A_148 = arith.constant 0 : i32
      %dma_wait3A_149 = tpu.memref_slice %arg3[%dma_wait3A_145, %dma_wait3A_146, %dma_wait3A_147, %dma_wait3A_148] : memref<32x126x1x80xi32, #tpu.memory_space<hbm>> -> memref<1x1x1x80xi32, #tpu.memory_space<hbm>>
      %dma_wait3A_150 = tpu.memref_squeeze %dma_wait3A_149 : memref<1x1x1x80xi32, #tpu.memory_space<hbm>> -> memref<1x80xi32, #tpu.memory_space<hbm>>
      %dma_wait3A_151 = arith.constant 0 : i32
      %dma_wait3A_152 = arith.constant 0 : i32
      %dma_wait3A_153 = tpu.memref_slice %arg3[%dma_wait3A_145, %dma_wait3A_146, %dma_wait3A_151, %dma_wait3A_152] : memref<32x126x1x80xi32, #tpu.memory_space<hbm>> -> memref<1x1x1x80xi32, #tpu.memory_space<hbm>>
      %dma_wait3A_154 = tpu.memref_squeeze %dma_wait3A_153 : memref<1x1x1x80xi32, #tpu.memory_space<hbm>> -> memref<1x80xi32, #tpu.memory_space<hbm>>
      tpu.wait_dma2 semaphore(%arg19 : memref<!tpu.dma_semaphore, #tpu.memory_space<semaphore_mem>>) src(%dma_wait3A_154 : memref<1x80xi32, #tpu.memory_space<hbm>>) dst(%arg9 : memref<1x80xi32, #tpu.memory_space<vmem>>)
      %dma_wait3A_155 = arith.constant 0 : i32
      %dma_wait3A_156 = tpu.memref_slice %arg7[%dma_wait3A_155] : memref<10080xi32, #tpu.memory_space<vmem>> -> memref<80xi32, #tpu.memory_space<vmem>>
      %dma_wait3A_157 = arith.constant 0 : i32
      %dma_wait3A_158 = arith.constant 0 : i32
      %dma_wait3A_159 = tpu.memref_slice %arg2[%dma_wait3A_157, %dma_wait3A_158] : memref<10008x128xf32, #tpu.memory_space<hbm>> -> memref<10008x128xf32, #tpu.memory_space<hbm>>
      tpu.wait_indirect_dma semaphore(%arg16 : memref<!tpu.dma_semaphore, #tpu.memory_space<semaphore_mem>>) src(%dma_wait3A_159 : memref<10008x128xf32, #tpu.memory_space<hbm>>) dst(%arg12 : memref<80x128xf32, #tpu.memory_space<vmem>>)
      %run_scoped3A_160 = arith.constant 0 : i32
      "tpu.region"() ({
        %run_scoped3A_221 = tpu.sem_alloc : memref<!tpu.dma_semaphore, #tpu.memory_space<semaphore_mem>>
        %dma_start3A_222 = arith.constant 0 : i32
        %dma_start3A_223 = tpu.memref_slice %arg9[%run_scoped3A_160, %dma_start3A_222] : memref<1x80xi32, #tpu.memory_space<vmem>> -> memref<1x80xi32, #tpu.memory_space<vmem>>
        %dma_start3A_224 = tpu.memref_squeeze %dma_start3A_223 : memref<1x80xi32, #tpu.memory_space<vmem>> -> memref<80xi32, #tpu.memory_space<vmem>>
        %dma_start3A_225 = arith.constant 0 : i32
        %dma_start3A_226 = arith.constant 0 : i32
        %dma_start3A_227 = tpu.memref_slice %arg14[%dma_start3A_225, %dma_start3A_226] : memref<10112x128xf32, #tpu.memory_space<vmem_shared>> -> memref<10112x128xf32, #tpu.memory_space<vmem_shared>>
        tpu.enqueue_indirect_dma source(%arg12 : memref<80x128xf32, #tpu.memory_space<vmem>>) target(%dma_start3A_227 : memref<10112x128xf32, #tpu.memory_space<vmem_shared>>) offsets(%dma_start3A_224 : memref<80xi32, #tpu.memory_space<vmem>>) semaphore(%run_scoped3A_221 : memref<!tpu.dma_semaphore, #tpu.memory_space<semaphore_mem>>) {add = true}
        %dma_wait3A_228 = arith.constant 0 : i32
        %dma_wait3A_229 = tpu.memref_slice %arg9[%run_scoped3A_160, %dma_wait3A_228] : memref<1x80xi32, #tpu.memory_space<vmem>> -> memref<1x80xi32, #tpu.memory_space<vmem>>
        %dma_wait3A_230 = tpu.memref_squeeze %dma_wait3A_229 : memref<1x80xi32, #tpu.memory_space<vmem>> -> memref<80xi32, #tpu.memory_space<vmem>>
        %dma_wait3A_231 = arith.constant 0 : i32
        %dma_wait3A_232 = arith.constant 0 : i32
        %dma_wait3A_233 = tpu.memref_slice %arg14[%dma_wait3A_231, %dma_wait3A_232] : memref<10112x128xf32, #tpu.memory_space<vmem_shared>> -> memref<10112x128xf32, #tpu.memory_space<vmem_shared>>
        tpu.wait_indirect_dma semaphore(%run_scoped3A_221 : memref<!tpu.dma_semaphore, #tpu.memory_space<semaphore_mem>>) src(%arg12 : memref<80x128xf32, #tpu.memory_space<vmem>>) dst(%dma_wait3A_233 : memref<10112x128xf32, #tpu.memory_space<vmem_shared>>)
        tpu.yield
      }) : () -> ()
      %add3A_161 = arith.constant 3 : i32
      %add3A_162 = arith.addi %mul3A_106, %add3A_161 : i32
      %add3A_163 = arith.constant 1 : i32
      %add3A_164 = arith.addi %add3A_162, %add3A_163 : i32
      %dma_start3A_165 = arith.constant 0 : i32
      %dma_start3A_166 = arith.constant 0 : i32
      %dma_start3A_167 = tpu.memref_slice %arg3[%add3A, %add3A_164, %dma_start3A_165, %dma_start3A_166] : memref<32x126x1x80xi32, #tpu.memory_space<hbm>> -> memref<1x1x1x80xi32, #tpu.memory_space<hbm>>
      %dma_start3A_168 = tpu.memref_squeeze %dma_start3A_167 : memref<1x1x1x80xi32, #tpu.memory_space<hbm>> -> memref<1x80xi32, #tpu.memory_space<hbm>>
      %dma_start3A_169 = arith.constant 0 : i32
      %dma_start3A_170 = arith.constant 0 : i32
      %dma_start3A_171 = tpu.memref_slice %arg3[%add3A, %add3A_164, %dma_start3A_169, %dma_start3A_170] : memref<32x126x1x80xi32, #tpu.memory_space<hbm>> -> memref<1x1x1x80xi32, #tpu.memory_space<hbm>>
      %dma_start3A_172 = tpu.memref_squeeze %dma_start3A_171 : memref<1x1x1x80xi32, #tpu.memory_space<hbm>> -> memref<1x80xi32, #tpu.memory_space<hbm>>
      tpu.enqueue_dma source(%dma_start3A_172 : memref<1x80xi32, #tpu.memory_space<hbm>>) target(%arg9 : memref<1x80xi32, #tpu.memory_space<vmem>>) target_semaphore(%arg19 : memref<!tpu.dma_semaphore, #tpu.memory_space<semaphore_mem>>)
      %add3A_173 = arith.constant 3 : i32
      %add3A_174 = arith.addi %mul3A_106, %add3A_173 : i32
      %add3A_175 = arith.constant 1 : i32
      %add3A_176 = arith.addi %add3A_174, %add3A_175 : i32
      %mul3A_177 = arith.constant 80 : i32
      %mul3A_178 = arith.muli %add3A_176, %mul3A_177 : i32
      %dma_start3A_179 = tpu.memref_slice %arg7[%mul3A_178] : memref<10080xi32, #tpu.memory_space<vmem>> -> memref<80xi32, #tpu.memory_space<vmem>>
      %dma_start3A_180 = arith.constant 0 : i32
      %dma_start3A_181 = arith.constant 0 : i32
      %dma_start3A_182 = tpu.memref_slice %arg2[%dma_start3A_180, %dma_start3A_181] : memref<10008x128xf32, #tpu.memory_space<hbm>> -> memref<10008x128xf32, #tpu.memory_space<hbm>>
      tpu.enqueue_indirect_dma source(%dma_start3A_182 : memref<10008x128xf32, #tpu.memory_space<hbm>>) target(%arg12 : memref<80x128xf32, #tpu.memory_space<vmem>>) offsets(%dma_start3A_179 : memref<80xi32, #tpu.memory_space<vmem>>) semaphore(%arg16 : memref<!tpu.dma_semaphore, #tpu.memory_space<semaphore_mem>>)
      %dma_wait3A_183 = arith.constant 0 : i32
      %dma_wait3A_184 = arith.constant 0 : i32
      %dma_wait3A_185 = arith.constant 0 : i32
      %dma_wait3A_186 = arith.constant 0 : i32
      %dma_wait3A_187 = tpu.memref_slice %arg3[%dma_wait3A_183, %dma_wait3A_184, %dma_wait3A_185, %dma_wait3A_186] : memref<32x126x1x80xi32, #tpu.memory_space<hbm>> -> memref<1x1x1x80xi32, #tpu.memory_space<hbm>>
      %dma_wait3A_188 = tpu.memref_squeeze %dma_wait3A_187 : memref<1x1x1x80xi32, #tpu.memory_space<hbm>> -> memref<1x80xi32, #tpu.memory_space<hbm>>
      %dma_wait3A_189 = arith.constant 0 : i32
      %dma_wait3A_190 = arith.constant 0 : i32
      %dma_wait3A_191 = tpu.memref_slice %arg3[%dma_wait3A_183, %dma_wait3A_184, %dma_wait3A_189, %dma_wait3A_190] : memref<32x126x1x80xi32, #tpu.memory_space<hbm>> -> memref<1x1x1x80xi32, #tpu.memory_space<hbm>>
      %dma_wait3A_192 = tpu.memref_squeeze %dma_wait3A_191 : memref<1x1x1x80xi32, #tpu.memory_space<hbm>> -> memref<1x80xi32, #tpu.memory_space<hbm>>
      tpu.wait_dma2 semaphore(%arg20 : memref<!tpu.dma_semaphore, #tpu.memory_space<semaphore_mem>>) src(%dma_wait3A_192 : memref<1x80xi32, #tpu.memory_space<hbm>>) dst(%arg10 : memref<1x80xi32, #tpu.memory_space<vmem>>)
      %dma_wait3A_193 = arith.constant 0 : i32
      %dma_wait3A_194 = tpu.memref_slice %arg7[%dma_wait3A_193] : memref<10080xi32, #tpu.memory_space<vmem>> -> memref<80xi32, #tpu.memory_space<vmem>>
      %dma_wait3A_195 = arith.constant 0 : i32
      %dma_wait3A_196 = arith.constant 0 : i32
      %dma_wait3A_197 = tpu.memref_slice %arg2[%dma_wait3A_195, %dma_wait3A_196] : memref<10008x128xf32, #tpu.memory_space<hbm>> -> memref<10008x128xf32, #tpu.memory_space<hbm>>
      tpu.wait_indirect_dma semaphore(%arg17 : memref<!tpu.dma_semaphore, #tpu.memory_space<semaphore_mem>>) src(%dma_wait3A_197 : memref<10008x128xf32, #tpu.memory_space<hbm>>) dst(%arg13 : memref<80x128xf32, #tpu.memory_space<vmem>>)
      %run_scoped3A_198 = arith.constant 0 : i32
      "tpu.region"() ({
        %run_scoped3A_221 = tpu.sem_alloc : memref<!tpu.dma_semaphore, #tpu.memory_space<semaphore_mem>>
        %dma_start3A_222 = arith.constant 0 : i32
        %dma_start3A_223 = tpu.memref_slice %arg10[%run_scoped3A_198, %dma_start3A_222] : memref<1x80xi32, #tpu.memory_space<vmem>> -> memref<1x80xi32, #tpu.memory_space<vmem>>
        %dma_start3A_224 = tpu.memref_squeeze %dma_start3A_223 : memref<1x80xi32, #tpu.memory_space<vmem>> -> memref<80xi32, #tpu.memory_space<vmem>>
        %dma_start3A_225 = arith.constant 0 : i32
        %dma_start3A_226 = arith.constant 0 : i32
        %dma_start3A_227 = tpu.memref_slice %arg14[%dma_start3A_225, %dma_start3A_226] : memref<10112x128xf32, #tpu.memory_space<vmem_shared>> -> memref<10112x128xf32, #tpu.memory_space<vmem_shared>>
        tpu.enqueue_indirect_dma source(%arg13 : memref<80x128xf32, #tpu.memory_space<vmem>>) target(%dma_start3A_227 : memref<10112x128xf32, #tpu.memory_space<vmem_shared>>) offsets(%dma_start3A_224 : memref<80xi32, #tpu.memory_space<vmem>>) semaphore(%run_scoped3A_221 : memref<!tpu.dma_semaphore, #tpu.memory_space<semaphore_mem>>) {add = true}
        %dma_wait3A_228 = arith.constant 0 : i32
        %dma_wait3A_229 = tpu.memref_slice %arg10[%run_scoped3A_198, %dma_wait3A_228] : memref<1x80xi32, #tpu.memory_space<vmem>> -> memref<1x80xi32, #tpu.memory_space<vmem>>
        %dma_wait3A_230 = tpu.memref_squeeze %dma_wait3A_229 : memref<1x80xi32, #tpu.memory_space<vmem>> -> memref<80xi32, #tpu.memory_space<vmem>>
        %dma_wait3A_231 = arith.constant 0 : i32
        %dma_wait3A_232 = arith.constant 0 : i32
        %dma_wait3A_233 = tpu.memref_slice %arg14[%dma_wait3A_231, %dma_wait3A_232] : memref<10112x128xf32, #tpu.memory_space<vmem_shared>> -> memref<10112x128xf32, #tpu.memory_space<vmem_shared>>
        tpu.wait_indirect_dma semaphore(%run_scoped3A_221 : memref<!tpu.dma_semaphore, #tpu.memory_space<semaphore_mem>>) src(%arg13 : memref<80x128xf32, #tpu.memory_space<vmem>>) dst(%dma_wait3A_233 : memref<10112x128xf32, #tpu.memory_space<vmem_shared>>)
        tpu.yield
      }) : () -> ()
      %add3A_199 = arith.constant 3 : i32
      %add3A_200 = arith.addi %mul3A_106, %add3A_199 : i32
      %add3A_201 = arith.constant 2 : i32
      %add3A_202 = arith.addi %add3A_200, %add3A_201 : i32
      %dma_start3A_203 = arith.constant 0 : i32
      %dma_start3A_204 = arith.constant 0 : i32
      %dma_start3A_205 = tpu.memref_slice %arg3[%add3A, %add3A_202, %dma_start3A_203, %dma_start3A_204] : memref<32x126x1x80xi32, #tpu.memory_space<hbm>> -> memref<1x1x1x80xi32, #tpu.memory_space<hbm>>
      %dma_start3A_206 = tpu.memref_squeeze %dma_start3A_205 : memref<1x1x1x80xi32, #tpu.memory_space<hbm>> -> memref<1x80xi32, #tpu.memory_space<hbm>>
      %dma_start3A_207 = arith.constant 0 : i32
      %dma_start3A_208 = arith.constant 0 : i32
      %dma_start3A_209 = tpu.memref_slice %arg3[%add3A, %add3A_202, %dma_start3A_207, %dma_start3A_208] : memref<32x126x1x80xi32, #tpu.memory_space<hbm>> -> memref<1x1x1x80xi32, #tpu.memory_space<hbm>>
      %dma_start3A_210 = tpu.memref_squeeze %dma_start3A_209 : memref<1x1x1x80xi32, #tpu.memory_space<hbm>> -> memref<1x80xi32, #tpu.memory_space<hbm>>
      tpu.enqueue_dma source(%dma_start3A_210 : memref<1x80xi32, #tpu.memory_space<hbm>>) target(%arg10 : memref<1x80xi32, #tpu.memory_space<vmem>>) target_semaphore(%arg20 : memref<!tpu.dma_semaphore, #tpu.memory_space<semaphore_mem>>)
      %add3A_211 = arith.constant 3 : i32
      %add3A_212 = arith.addi %mul3A_106, %add3A_211 : i32
      %add3A_213 = arith.constant 2 : i32
      %add3A_214 = arith.addi %add3A_212, %add3A_213 : i32
      %mul3A_215 = arith.constant 80 : i32
      %mul3A_216 = arith.muli %add3A_214, %mul3A_215 : i32
      %dma_start3A_217 = tpu.memref_slice %arg7[%mul3A_216] : memref<10080xi32, #tpu.memory_space<vmem>> -> memref<80xi32, #tpu.memory_space<vmem>>
      %dma_start3A_218 = arith.constant 0 : i32
      %dma_start3A_219 = arith.constant 0 : i32
      %dma_start3A_220 = tpu.memref_slice %arg2[%dma_start3A_218, %dma_start3A_219] : memref<10008x128xf32, #tpu.memory_space<hbm>> -> memref<10008x128xf32, #tpu.memory_space<hbm>>
      tpu.enqueue_indirect_dma source(%dma_start3A_220 : memref<10008x128xf32, #tpu.memory_space<hbm>>) target(%arg13 : memref<80x128xf32, #tpu.memory_space<vmem>>) offsets(%dma_start3A_217 : memref<80xi32, #tpu.memory_space<vmem>>) semaphore(%arg17 : memref<!tpu.dma_semaphore, #tpu.memory_space<semaphore_mem>>)
    }
    %scan3A_52 = arith.constant 41 : i32
    %dma_wait3A = arith.constant 0 : i32
    %dma_wait3A_53 = arith.constant 0 : i32
    %dma_wait3A_54 = arith.constant 0 : i32
    %dma_wait3A_55 = arith.constant 0 : i32
    %dma_wait3A_56 = tpu.memref_slice %arg3[%dma_wait3A, %dma_wait3A_53, %dma_wait3A_54, %dma_wait3A_55] : memref<32x126x1x80xi32, #tpu.memory_space<hbm>> -> memref<1x1x1x80xi32, #tpu.memory_space<hbm>>
    %dma_wait3A_57 = tpu.memref_squeeze %dma_wait3A_56 : memref<1x1x1x80xi32, #tpu.memory_space<hbm>> -> memref<1x80xi32, #tpu.memory_space<hbm>>
    %dma_wait3A_58 = arith.constant 0 : i32
    %dma_wait3A_59 = arith.constant 0 : i32
    %dma_wait3A_60 = tpu.memref_slice %arg3[%dma_wait3A, %dma_wait3A_53, %dma_wait3A_58, %dma_wait3A_59] : memref<32x126x1x80xi32, #tpu.memory_space<hbm>> -> memref<1x1x1x80xi32, #tpu.memory_space<hbm>>
    %dma_wait3A_61 = tpu.memref_squeeze %dma_wait3A_60 : memref<1x1x1x80xi32, #tpu.memory_space<hbm>> -> memref<1x80xi32, #tpu.memory_space<hbm>>
    tpu.wait_dma2 semaphore(%arg18 : memref<!tpu.dma_semaphore, #tpu.memory_space<semaphore_mem>>) src(%dma_wait3A_61 : memref<1x80xi32, #tpu.memory_space<hbm>>) dst(%arg8 : memref<1x80xi32, #tpu.memory_space<vmem>>)
    %dma_wait3A_62 = arith.constant 0 : i32
    %dma_wait3A_63 = tpu.memref_slice %arg7[%dma_wait3A_62] : memref<10080xi32, #tpu.memory_space<vmem>> -> memref<80xi32, #tpu.memory_space<vmem>>
    %dma_wait3A_64 = arith.constant 0 : i32
    %dma_wait3A_65 = arith.constant 0 : i32
    %dma_wait3A_66 = tpu.memref_slice %arg2[%dma_wait3A_64, %dma_wait3A_65] : memref<10008x128xf32, #tpu.memory_space<hbm>> -> memref<10008x128xf32, #tpu.memory_space<hbm>>
    tpu.wait_indirect_dma semaphore(%arg15 : memref<!tpu.dma_semaphore, #tpu.memory_space<semaphore_mem>>) src(%dma_wait3A_66 : memref<10008x128xf32, #tpu.memory_space<hbm>>) dst(%arg11 : memref<80x128xf32, #tpu.memory_space<vmem>>)
    %run_scoped3A = arith.constant 0 : i32
    "tpu.region"() ({
      %run_scoped3A_104 = tpu.sem_alloc : memref<!tpu.dma_semaphore, #tpu.memory_space<semaphore_mem>>
      %dma_start3A_105 = arith.constant 0 : i32
      %dma_start3A_106 = tpu.memref_slice %arg8[%run_scoped3A, %dma_start3A_105] : memref<1x80xi32, #tpu.memory_space<vmem>> -> memref<1x80xi32, #tpu.memory_space<vmem>>
      %dma_start3A_107 = tpu.memref_squeeze %dma_start3A_106 : memref<1x80xi32, #tpu.memory_space<vmem>> -> memref<80xi32, #tpu.memory_space<vmem>>
      %dma_start3A_108 = arith.constant 0 : i32
      %dma_start3A_109 = arith.constant 0 : i32
      %dma_start3A_110 = tpu.memref_slice %arg14[%dma_start3A_108, %dma_start3A_109] : memref<10112x128xf32, #tpu.memory_space<vmem_shared>> -> memref<10112x128xf32, #tpu.memory_space<vmem_shared>>
      tpu.enqueue_indirect_dma source(%arg11 : memref<80x128xf32, #tpu.memory_space<vmem>>) target(%dma_start3A_110 : memref<10112x128xf32, #tpu.memory_space<vmem_shared>>) offsets(%dma_start3A_107 : memref<80xi32, #tpu.memory_space<vmem>>) semaphore(%run_scoped3A_104 : memref<!tpu.dma_semaphore, #tpu.memory_space<semaphore_mem>>) {add = true}
      %dma_wait3A_111 = arith.constant 0 : i32
      %dma_wait3A_112 = tpu.memref_slice %arg8[%run_scoped3A, %dma_wait3A_111] : memref<1x80xi32, #tpu.memory_space<vmem>> -> memref<1x80xi32, #tpu.memory_space<vmem>>
      %dma_wait3A_113 = tpu.memref_squeeze %dma_wait3A_112 : memref<1x80xi32, #tpu.memory_space<vmem>> -> memref<80xi32, #tpu.memory_space<vmem>>
      %dma_wait3A_114 = arith.constant 0 : i32
      %dma_wait3A_115 = arith.constant 0 : i32
      %dma_wait3A_116 = tpu.memref_slice %arg14[%dma_wait3A_114, %dma_wait3A_115] : memref<10112x128xf32, #tpu.memory_space<vmem_shared>> -> memref<10112x128xf32, #tpu.memory_space<vmem_shared>>
      tpu.wait_indirect_dma semaphore(%run_scoped3A_104 : memref<!tpu.dma_semaphore, #tpu.memory_space<semaphore_mem>>) src(%arg11 : memref<80x128xf32, #tpu.memory_space<vmem>>) dst(%dma_wait3A_116 : memref<10112x128xf32, #tpu.memory_space<vmem_shared>>)
      tpu.yield
    }) : () -> ()
    %dma_wait3A_67 = arith.constant 0 : i32
    %dma_wait3A_68 = arith.constant 0 : i32
    %dma_wait3A_69 = arith.constant 0 : i32
    %dma_wait3A_70 = arith.constant 0 : i32
    %dma_wait3A_71 = tpu.memref_slice %arg3[%dma_wait3A_67, %dma_wait3A_68, %dma_wait3A_69, %dma_wait3A_70] : memref<32x126x1x80xi32, #tpu.memory_space<hbm>> -> memref<1x1x1x80xi32, #tpu.memory_space<hbm>>
    %dma_wait3A_72 = tpu.memref_squeeze %dma_wait3A_71 : memref<1x1x1x80xi32, #tpu.memory_space<hbm>> -> memref<1x80xi32, #tpu.memory_space<hbm>>
    %dma_wait3A_73 = arith.constant 0 : i32
    %dma_wait3A_74 = arith.constant 0 : i32
    %dma_wait3A_75 = tpu.memref_slice %arg3[%dma_wait3A_67, %dma_wait3A_68, %dma_wait3A_73, %dma_wait3A_74] : memref<32x126x1x80xi32, #tpu.memory_space<hbm>> -> memref<1x1x1x80xi32, #tpu.memory_space<hbm>>
    %dma_wait3A_76 = tpu.memref_squeeze %dma_wait3A_75 : memref<1x1x1x80xi32, #tpu.memory_space<hbm>> -> memref<1x80xi32, #tpu.memory_space<hbm>>
    tpu.wait_dma2 semaphore(%arg19 : memref<!tpu.dma_semaphore, #tpu.memory_space<semaphore_mem>>) src(%dma_wait3A_76 : memref<1x80xi32, #tpu.memory_space<hbm>>) dst(%arg9 : memref<1x80xi32, #tpu.memory_space<vmem>>)
    %dma_wait3A_77 = arith.constant 0 : i32
    %dma_wait3A_78 = tpu.memref_slice %arg7[%dma_wait3A_77] : memref<10080xi32, #tpu.memory_space<vmem>> -> memref<80xi32, #tpu.memory_space<vmem>>
    %dma_wait3A_79 = arith.constant 0 : i32
    %dma_wait3A_80 = arith.constant 0 : i32
    %dma_wait3A_81 = tpu.memref_slice %arg2[%dma_wait3A_79, %dma_wait3A_80] : memref<10008x128xf32, #tpu.memory_space<hbm>> -> memref<10008x128xf32, #tpu.memory_space<hbm>>
    tpu.wait_indirect_dma semaphore(%arg16 : memref<!tpu.dma_semaphore, #tpu.memory_space<semaphore_mem>>) src(%dma_wait3A_81 : memref<10008x128xf32, #tpu.memory_space<hbm>>) dst(%arg12 : memref<80x128xf32, #tpu.memory_space<vmem>>)
    %run_scoped3A_82 = arith.constant 0 : i32
    "tpu.region"() ({
      %run_scoped3A_104 = tpu.sem_alloc : memref<!tpu.dma_semaphore, #tpu.memory_space<semaphore_mem>>
      %dma_start3A_105 = arith.constant 0 : i32
      %dma_start3A_106 = tpu.memref_slice %arg9[%run_scoped3A_82, %dma_start3A_105] : memref<1x80xi32, #tpu.memory_space<vmem>> -> memref<1x80xi32, #tpu.memory_space<vmem>>
      %dma_start3A_107 = tpu.memref_squeeze %dma_start3A_106 : memref<1x80xi32, #tpu.memory_space<vmem>> -> memref<80xi32, #tpu.memory_space<vmem>>
      %dma_start3A_108 = arith.constant 0 : i32
      %dma_start3A_109 = arith.constant 0 : i32
      %dma_start3A_110 = tpu.memref_slice %arg14[%dma_start3A_108, %dma_start3A_109] : memref<10112x128xf32, #tpu.memory_space<vmem_shared>> -> memref<10112x128xf32, #tpu.memory_space<vmem_shared>>
      tpu.enqueue_indirect_dma source(%arg12 : memref<80x128xf32, #tpu.memory_space<vmem>>) target(%dma_start3A_110 : memref<10112x128xf32, #tpu.memory_space<vmem_shared>>) offsets(%dma_start3A_107 : memref<80xi32, #tpu.memory_space<vmem>>) semaphore(%run_scoped3A_104 : memref<!tpu.dma_semaphore, #tpu.memory_space<semaphore_mem>>) {add = true}
      %dma_wait3A_111 = arith.constant 0 : i32
      %dma_wait3A_112 = tpu.memref_slice %arg9[%run_scoped3A_82, %dma_wait3A_111] : memref<1x80xi32, #tpu.memory_space<vmem>> -> memref<1x80xi32, #tpu.memory_space<vmem>>
      %dma_wait3A_113 = tpu.memref_squeeze %dma_wait3A_112 : memref<1x80xi32, #tpu.memory_space<vmem>> -> memref<80xi32, #tpu.memory_space<vmem>>
      %dma_wait3A_114 = arith.constant 0 : i32
      %dma_wait3A_115 = arith.constant 0 : i32
      %dma_wait3A_116 = tpu.memref_slice %arg14[%dma_wait3A_114, %dma_wait3A_115] : memref<10112x128xf32, #tpu.memory_space<vmem_shared>> -> memref<10112x128xf32, #tpu.memory_space<vmem_shared>>
      tpu.wait_indirect_dma semaphore(%run_scoped3A_104 : memref<!tpu.dma_semaphore, #tpu.memory_space<semaphore_mem>>) src(%arg12 : memref<80x128xf32, #tpu.memory_space<vmem>>) dst(%dma_wait3A_116 : memref<10112x128xf32, #tpu.memory_space<vmem_shared>>)
      tpu.yield
    }) : () -> ()
    %dma_wait3A_83 = arith.constant 0 : i32
    %dma_wait3A_84 = arith.constant 0 : i32
    %dma_wait3A_85 = arith.constant 0 : i32
    %dma_wait3A_86 = arith.constant 0 : i32
    %dma_wait3A_87 = tpu.memref_slice %arg3[%dma_wait3A_83, %dma_wait3A_84, %dma_wait3A_85, %dma_wait3A_86] : memref<32x126x1x80xi32, #tpu.memory_space<hbm>> -> memref<1x1x1x80xi32, #tpu.memory_space<hbm>>
    %dma_wait3A_88 = tpu.memref_squeeze %dma_wait3A_87 : memref<1x1x1x80xi32, #tpu.memory_space<hbm>> -> memref<1x80xi32, #tpu.memory_space<hbm>>
    %dma_wait3A_89 = arith.constant 0 : i32
    %dma_wait3A_90 = arith.constant 0 : i32
    %dma_wait3A_91 = tpu.memref_slice %arg3[%dma_wait3A_83, %dma_wait3A_84, %dma_wait3A_89, %dma_wait3A_90] : memref<32x126x1x80xi32, #tpu.memory_space<hbm>> -> memref<1x1x1x80xi32, #tpu.memory_space<hbm>>
    %dma_wait3A_92 = tpu.memref_squeeze %dma_wait3A_91 : memref<1x1x1x80xi32, #tpu.memory_space<hbm>> -> memref<1x80xi32, #tpu.memory_space<hbm>>
    tpu.wait_dma2 semaphore(%arg20 : memref<!tpu.dma_semaphore, #tpu.memory_space<semaphore_mem>>) src(%dma_wait3A_92 : memref<1x80xi32, #tpu.memory_space<hbm>>) dst(%arg10 : memref<1x80xi32, #tpu.memory_space<vmem>>)
    %dma_wait3A_93 = arith.constant 0 : i32
    %dma_wait3A_94 = tpu.memref_slice %arg7[%dma_wait3A_93] : memref<10080xi32, #tpu.memory_space<vmem>> -> memref<80xi32, #tpu.memory_space<vmem>>
    %dma_wait3A_95 = arith.constant 0 : i32
    %dma_wait3A_96 = arith.constant 0 : i32
    %dma_wait3A_97 = tpu.memref_slice %arg2[%dma_wait3A_95, %dma_wait3A_96] : memref<10008x128xf32, #tpu.memory_space<hbm>> -> memref<10008x128xf32, #tpu.memory_space<hbm>>
    tpu.wait_indirect_dma semaphore(%arg17 : memref<!tpu.dma_semaphore, #tpu.memory_space<semaphore_mem>>) src(%dma_wait3A_97 : memref<10008x128xf32, #tpu.memory_space<hbm>>) dst(%arg13 : memref<80x128xf32, #tpu.memory_space<vmem>>)
    %run_scoped3A_98 = arith.constant 0 : i32
    "tpu.region"() ({
      %run_scoped3A_104 = tpu.sem_alloc : memref<!tpu.dma_semaphore, #tpu.memory_space<semaphore_mem>>
      %dma_start3A_105 = arith.constant 0 : i32
      %dma_start3A_106 = tpu.memref_slice %arg10[%run_scoped3A_98, %dma_start3A_105] : memref<1x80xi32, #tpu.memory_space<vmem>> -> memref<1x80xi32, #tpu.memory_space<vmem>>
      %dma_start3A_107 = tpu.memref_squeeze %dma_start3A_106 : memref<1x80xi32, #tpu.memory_space<vmem>> -> memref<80xi32, #tpu.memory_space<vmem>>
      %dma_start3A_108 = arith.constant 0 : i32
      %dma_start3A_109 = arith.constant 0 : i32
      %dma_start3A_110 = tpu.memref_slice %arg14[%dma_start3A_108, %dma_start3A_109] : memref<10112x128xf32, #tpu.memory_space<vmem_shared>> -> memref<10112x128xf32, #tpu.memory_space<vmem_shared>>
      tpu.enqueue_indirect_dma source(%arg13 : memref<80x128xf32, #tpu.memory_space<vmem>>) target(%dma_start3A_110 : memref<10112x128xf32, #tpu.memory_space<vmem_shared>>) offsets(%dma_start3A_107 : memref<80xi32, #tpu.memory_space<vmem>>) semaphore(%run_scoped3A_104 : memref<!tpu.dma_semaphore, #tpu.memory_space<semaphore_mem>>) {add = true}
      %dma_wait3A_111 = arith.constant 0 : i32
      %dma_wait3A_112 = tpu.memref_slice %arg10[%run_scoped3A_98, %dma_wait3A_111] : memref<1x80xi32, #tpu.memory_space<vmem>> -> memref<1x80xi32, #tpu.memory_space<vmem>>
      %dma_wait3A_113 = tpu.memref_squeeze %dma_wait3A_112 : memref<1x80xi32, #tpu.memory_space<vmem>> -> memref<80xi32, #tpu.memory_space<vmem>>
      %dma_wait3A_114 = arith.constant 0 : i32
      %dma_wait3A_115 = arith.constant 0 : i32
      %dma_wait3A_116 = tpu.memref_slice %arg14[%dma_wait3A_114, %dma_wait3A_115] : memref<10112x128xf32, #tpu.memory_space<vmem_shared>> -> memref<10112x128xf32, #tpu.memory_space<vmem_shared>>
      tpu.wait_indirect_dma semaphore(%run_scoped3A_104 : memref<!tpu.dma_semaphore, #tpu.memory_space<semaphore_mem>>) src(%arg13 : memref<80x128xf32, #tpu.memory_space<vmem>>) dst(%dma_wait3A_116 : memref<10112x128xf32, #tpu.memory_space<vmem_shared>>)
      tpu.yield
    }) : () -> ()
    %barrier3A_99 = arith.constant 0 : index
    tpu.barrier barrier_id(%barrier3A_99)
    %mul3A_100 = arith.constant 632 : i32
    %mul3A_101 = arith.muli %arg1, %mul3A_100 : i32
    %mul3A_102 = arith.constant 632 : i32
    %mul3A_103 = arith.muli %arg1, %mul3A_102 : i32
    "tpu.region"() ({
      %run_scoped3A_104 = tpu.sem_alloc : memref<!tpu.dma_semaphore, #tpu.memory_space<semaphore_mem>>
      %dma_start3A_105 = arith.constant 0 : i32
      %dma_start3A_106 = tpu.memref_slice %arg6[%arg0, %mul3A_103, %dma_start3A_105] : memref<2x10112x128xf32, #tpu.memory_space<hbm>> -> memref<1x632x128xf32, #tpu.memory_space<hbm>>
      %dma_start3A_107 = tpu.memref_squeeze %dma_start3A_106 : memref<1x632x128xf32, #tpu.memory_space<hbm>> -> memref<632x128xf32, #tpu.memory_space<hbm>>
      %dma_start3A_108 = arith.constant 0 : i32
      %dma_start3A_109 = tpu.memref_slice %arg14[%mul3A_101, %dma_start3A_108] : memref<10112x128xf32, #tpu.memory_space<vmem_shared>> -> memref<632x128xf32, #tpu.memory_space<vmem_shared>>
      tpu.enqueue_dma source(%dma_start3A_109 : memref<632x128xf32, #tpu.memory_space<vmem_shared>>) target(%dma_start3A_107 : memref<632x128xf32, #tpu.memory_space<hbm>>) target_semaphore(%run_scoped3A_104 : memref<!tpu.dma_semaphore, #tpu.memory_space<semaphore_mem>>)
      %dma_wait3A_110 = arith.constant 0 : i32
      %dma_wait3A_111 = tpu.memref_slice %arg6[%arg0, %mul3A_103, %dma_wait3A_110] : memref<2x10112x128xf32, #tpu.memory_space<hbm>> -> memref<1x632x128xf32, #tpu.memory_space<hbm>>
      %dma_wait3A_112 = tpu.memref_squeeze %dma_wait3A_111 : memref<1x632x128xf32, #tpu.memory_space<hbm>> -> memref<632x128xf32, #tpu.memory_space<hbm>>
      %dma_wait3A_113 = arith.constant 0 : i32
      %dma_wait3A_114 = tpu.memref_slice %arg14[%mul3A_101, %dma_wait3A_113] : memref<10112x128xf32, #tpu.memory_space<vmem_shared>> -> memref<632x128xf32, #tpu.memory_space<vmem_shared>>
      tpu.wait_dma2 semaphore(%run_scoped3A_104 : memref<!tpu.dma_semaphore, #tpu.memory_space<semaphore_mem>>) src(%dma_wait3A_114 : memref<632x128xf32, #tpu.memory_space<vmem_shared>>) dst(%dma_wait3A_112 : memref<632x128xf32, #tpu.memory_space<hbm>>)
      tpu.yield
    }) : () -> ()
    return
  }
}

module attributes {stable_mosaic.version = 14 : i64} {
  func.func @body(%arg0: i32, %arg1: memref<1000x128xf32, #tpu.memory_space<vmem>>, %arg2: memref<128x256xf32, #tpu.memory_space<vmem>>, %arg3: memref<1000x128xf32, #tpu.memory_space<vmem>>) attributes {dimension_semantics = [#tpu.dimension_semantics<arbitrary>], iteration_bounds = array<i64: 10>, scalar_prefetch = 0 : i64, scratch_operands = 0 : i64, tpu.core_type = #tpu.core_type<tc>, window_params = [{transform_indices = @transform_0, window_bounds = array<i64: 1000, 128>}, {pipeline_mode = #tpu.pipeline_mode<synchronous>, transform_indices = @transform_1, window_bounds = array<i64: 128, 256>}, {transform_indices = @transform_2, window_bounds = array<i64: 1000, 128>}]} {
    %get3A = arith.constant 0 : index
    %get3A_0 = arith.constant 0 : index
    %get3A_1 = vector.load %arg1[%get3A, %get3A_0] : memref<1000x128xf32, #tpu.memory_space<vmem>>, vector<1000x128xf32>
    %get3A_2 = arith.constant 0 : index
    %get3A_3 = arith.constant 0 : index
    %get3A_4 = vector.load %arg2[%get3A_2, %get3A_3] : memref<128x256xf32, #tpu.memory_space<vmem>>, vector<128x256xf32>
    %dot_general3A = arith.constant dense<0.000000e+00> : vector<1000x256xf32>
    %dot_general3A_5 = tpu.matmul %get3A_1, %get3A_4, %dot_general3A {dimension_numbers = #tpu.dot_dimension_numbers<[1], [0], [0], [1], [0, 0, 1, 1], [], []>, transpose_lhs_hint = false} : vector<1000x128xf32>, vector<128x256xf32>, vector<1000x256xf32> -> vector<1000x256xf32>
    %slice3A = vector.extract_strided_slice %dot_general3A_5 {offsets = [0, 0], sizes = [1000, 128], strides = [1, 1]} : vector<1000x256xf32> to vector<1000x128xf32>
    %logistic3A = arith.negf %slice3A : vector<1000x128xf32>
    %logistic3A_6 = math.exp %logistic3A : vector<1000x128xf32>
    %logistic3A_7 = arith.constant 1.000000e+00 : f32
    %logistic3A_8 = vector.broadcast %logistic3A_7 : f32 to vector<1000x128xf32>
    %logistic3A_9 = arith.addf %logistic3A_8, %logistic3A_6 : vector<1000x128xf32>
    %logistic3A_10 = arith.divf %logistic3A_8, %logistic3A_9 : vector<1000x128xf32>
    %slice3A_11 = vector.extract_strided_slice %dot_general3A_5 {offsets = [0, 128], sizes = [1000, 128], strides = [1, 1]} : vector<1000x256xf32> to vector<1000x128xf32>
    %mul3A = arith.mulf %logistic3A_10, %slice3A_11 : vector<1000x128xf32>
    %swap3A = arith.constant 0 : index
    %swap3A_12 = arith.constant 0 : index
    %swap3A_13 = vector.load %arg3[%swap3A, %swap3A_12] : memref<1000x128xf32, #tpu.memory_space<vmem>>, vector<1000x128xf32>
    tpu.vector_store %arg3[%swap3A, %swap3A_12], %mul3A {strides = array<i32>} : memref<1000x128xf32, #tpu.memory_space<vmem>>, vector<1000x128xf32>,
    return
  }
  func.func @transform_0(%arg0: i32) -> (i32, i32) {
    %c0_i32 = arith.constant 0 : i32
    %c0_i32_0 = arith.constant 0 : i32
    return %arg0, %c0_i32 : i32, i32
  }
  func.func @transform_1(%arg0: i32) -> (i32, i32) {
    %c0_i32 = arith.constant 0 : i32
    %c0_i32_0 = arith.constant 0 : i32
    %c0_i32_1 = arith.constant 0 : i32
    return %c0_i32, %c0_i32_0 : i32, i32
  }
  func.func @transform_2(%arg0: i32) -> (i32, i32) {
    %c0_i32 = arith.constant 0 : i32
    %c0_i32_0 = arith.constant 0 : i32
    return %arg0, %c0_i32 : i32, i32
  }
}

module attributes {stable_mosaic.version = 14 : i64} {
  func.func @body(%arg0: i32, %arg1: memref<1000x128xf32, #tpu.memory_space<vmem>>, %arg2: memref<1000x128xf32, #tpu.memory_space<vmem>>, %arg3: memref<1000x128xf32, #tpu.memory_space<vmem>>, %arg4: memref<1000x128xf32, #tpu.memory_space<vmem>>) attributes {dimension_semantics = [#tpu.dimension_semantics<arbitrary>], iteration_bounds = array<i64: 10>, scalar_prefetch = 0 : i64, scratch_operands = 0 : i64, tpu.core_type = #tpu.core_type<tc>, window_params = [{transform_indices = @transform_0, window_bounds = array<i64: 1000, 128>}, {transform_indices = @transform_1, window_bounds = array<i64: 1000, 128>}, {transform_indices = @transform_2, window_bounds = array<i64: 1000, 128>}, {transform_indices = @transform_3, window_bounds = array<i64: 1000, 128>}]} {
    %get3A = arith.constant 0 : index
    %get3A_0 = arith.constant 0 : index
    %get3A_1 = vector.load %arg1[%get3A, %get3A_0] : memref<1000x128xf32, #tpu.memory_space<vmem>>, vector<1000x128xf32>
    %get3A_2 = arith.constant 0 : index
    %get3A_3 = arith.constant 0 : index
    %get3A_4 = vector.load %arg2[%get3A_2, %get3A_3] : memref<1000x128xf32, #tpu.memory_space<vmem>>, vector<1000x128xf32>
    %add3A = arith.addf %get3A_1, %get3A_4 : vector<1000x128xf32>
    %get3A_5 = arith.constant 0 : index
    %get3A_6 = arith.constant 0 : index
    %get3A_7 = vector.load %arg3[%get3A_5, %get3A_6] : memref<1000x128xf32, #tpu.memory_space<vmem>>, vector<1000x128xf32>
    %add3A_8 = arith.addf %add3A, %get3A_7 : vector<1000x128xf32>
    %swap3A = arith.constant 0 : index
    %swap3A_9 = arith.constant 0 : index
    %swap3A_10 = vector.load %arg4[%swap3A, %swap3A_9] : memref<1000x128xf32, #tpu.memory_space<vmem>>, vector<1000x128xf32>
    tpu.vector_store %arg4[%swap3A, %swap3A_9], %add3A_8 {strides = array<i32>} : memref<1000x128xf32, #tpu.memory_space<vmem>>, vector<1000x128xf32>,
    return
  }
  func.func @transform_0(%arg0: i32) -> (i32, i32) {
    %c0_i32 = arith.constant 0 : i32
    %c0_i32_0 = arith.constant 0 : i32
    return %arg0, %c0_i32 : i32, i32
  }
  func.func @transform_1(%arg0: i32) -> (i32, i32) {
    %c0_i32 = arith.constant 0 : i32
    %c0_i32_0 = arith.constant 0 : i32
    return %arg0, %c0_i32 : i32, i32
  }
  func.func @transform_2(%arg0: i32) -> (i32, i32) {
    %c0_i32 = arith.constant 0 : i32
    %c0_i32_0 = arith.constant 0 : i32
    return %arg0, %c0_i32 : i32, i32
  }
  func.func @transform_3(%arg0: i32) -> (i32, i32) {
    %c0_i32 = arith.constant 0 : i32
    %c0_i32_0 = arith.constant 0 : i32
    return %arg0, %c0_i32 : i32, i32
  }
}

</mosaic_0001>

<sc_bundles>
// kernel: kernel.5.cloned.1.call-start
scs
__scs_entry_jumppad:
0x0: {  	(pc) =	sbr.rel $0x88, $3  }
0x1: {  	(tag) =	ssettag $0x0;
	lr =	simm.s32 $0x1  }
0x2: {  	[smem:$0x3F9D] =	sst lr;
	_ =	strace $0xD0000000  }
0x3: {  	_ = 	snop  }
0x4: {  	_ = 	snop  }
0x5: {  	_ = 	snop  }
0x6: {  	_ = 	snop  }
0x7: {  	_ = 	snop  }
__scs_overlays_trampoline_lowered:
0x8: {  	[smem:$0x3FAC] =	sst s0  }
0x9: {  	[smem:$0x3FAD] =	sst s1  }
0xa: {  	[smem:$0x3FAE] =	sst s2  }
0xb: {  	[smem:$0x3FAF] =	sst s3  }
0xc: {  	[smem:$0x3FB0] =	sst s4  }
0xd: {  	[smem:$0x3FB1] =	sst s5  }
0xe: {  	[smem:$0x3FB2] =	sst s6  }
0xf: {  	[smem:$0x3FB3] =	sst s7  }
0x10: {  	[smem:$0x3FB4] =	sst s8  }
0x11: {  	[smem:$0x3FB5] =	sst s9;
	s0 =	simm.s32 @!p0 $0x0  }
0x12: {  	s1 =	sld [smem:$0x3F9B];
	s0 =	simm.s32 @p0 $0x1  }
0x13: {  	[smem:$0x3FB6] =	sst s0;
	s0 =	simm.s32 @!p1 $0x0  }
0x14: {  	s2 =	sld [smem:$0x3F9A];
	s0 =	simm.s32 @p1 $0x1  }
0x15: {  	[smem:$0x3FB7] =	sst s0;
	s0 =	simm.s32 @!p2 $0x0  }
0x16: {  	s3 =	sld [smem:$0x3FDB];
	s0 =	simm.s32 @p2 $0x1  }
0x17: {  	s4 =	simm.s32 $0x1BF5;
	[smem:$0x3FB9] =	sst s0  }
0x18: {  	s0 =	sld [smem:$0x3F9C];
	_ =	swait.ge [sflag:s4], $0x0  }
0x19: {  	s7 =	sld [smem:$0x3F9D]  }
0x1a: {  	s8 =	sadd.s32 $0xFFFFE003, lr  }
0x1b: {  	s9 =	sadd.s32 $0xFFFFFEF7, lr;
	s5 =	simm.s32 $0xFFFFFFFF;
	p2 =	slt.u32 s8, $0xFFFFF086  }
0x1c: {  	p1 =	slt.u32 s9, $0xF7A;
	s5 =	simm.s32 @!p2 $0x0  }
0x1d: {  	s5 =	simm.s32 @p1 $0x1;
	p0 =	seq.s32 s7, s2  }
0x1e: {  	s7 =	smul.u32 @!p0 $0xF7A, s2;
	p2 =	seq.s32 @!p0 s5, $0x0  }
0x1f: {  	s9 =	smul.u32 $0xF7A, s1;
	s8 =	simm.s32 @!p0 $0x1BF5;
	p2 =	por !p2, p0  }
0x20: {  	[sflag:s8] =	ssyncset.s32 @!p0 $0xFFFFF086;
	s6 =	sadd.s32 @!p0 s3, s7;
	s7 =	simm.s32 @!p0 $0x108  }
0x21: {  	s3 =	sadd.s32 s3, s9;
	s6 =	sadd.s32 @!p0 $0x88, s6;
	s7 =	simm.s32 @p2 $0x1082  }
0x22: {  	[simem:s7], [sflag:s8] =	dma.local @!p0 [hbm:s6], $0xF7A  }
0x23: {  	s9 =	sor.u32 $0xD0000000, s2;
	s6 =	simm.s32 $0x108;
	_ =	swait.ge @!p0 [sflag:s8], $0x0  }
0x24: {  	s3 =	sadd.s32 $0x88, s3;
	s6 =	simm.s32 @!p1 $0x1082;
	[sflag:s4] =	ssyncset.s32 $0xFFFFF086  }
0x25: {  	[simem:s6], [sflag:s4] =	dma.local [hbm:s3], $0xF7A  }
0x26: {  	[smem:$0x3F9D] =	sst s1;
	(tag) =	ssettag s2;
	_ =	strace s9  }
0x27: {  	s1 =	sld [smem:$0x3FAD]  }
0x28: {  	s2 =	sld [smem:$0x3FAE]  }
0x29: {  	s4 =	sld [smem:$0x3FB0]  }
0x2a: {  	p0 =	seq.s32 s5, $0x0;
	s5 =	sld [smem:$0x3FB1]  }
0x2b: {  	s6 =	sld [smem:$0x3FB2]  }
0x2c: {  	s7 =	sld [smem:$0x3FB3]  }
0x2d: {  	s3 =	simm.s32 $0x108;
	s8 =	sld [smem:$0x3FB4]  }
0x2e: {  	s3 =	simm.s32 @!p0 $0x1082;
	s9 =	sld [smem:$0x3FB5]  }
0x2f: {  	lr =	sadd.s32 s0, s3;
	s0 =	sld [smem:$0x3FAC]  }
0x30: {  	s3 =	sld [smem:$0x3FAF]  }
0x31: {  	[smem:$0x3FB8] =	sst s10  }
0x32: {  	s10 =	sld [smem:$0x3FB6];
	_ =	sdelay $0x3  }
0x33: {  	p0 =	seq.s32 s10, $0x1;
	s10 =	sld [smem:$0x3FB8];
	_ =	sdelay $0x3  }
0x34: {  	[smem:$0x3FB8] =	sst s10  }
0x35: {  	s10 =	sld [smem:$0x3FB7];
	_ =	sdelay $0x3  }
0x36: {  	p1 =	seq.s32 s10, $0x1;
	s10 =	sld [smem:$0x3FB8];
	_ =	sdelay $0x3  }
0x37: {  	[smem:$0x3FB8] =	sst s10  }
0x38: {  	s10 =	sld [smem:$0x3FB9]  }
0x39: {  	_ = 	snop;
	(pc) =	sbr.ind lr, $3  }
0x3a: {  	_ = 	snop  }
0x3b: {  	_ = 	snop  }
0x3c: {  	p2 =	seq.s32 s10, $0x1;
	s10 =	sld [smem:$0x3FB8]  }
0x3d: {  	_ =	shalt  }
0x3e: {  	_ =	shalt  }
0x3f: {  	_ =	shalt  }
0x40: {  	_ =	shalt  }
0x41: {  	_ =	shalt  }
0x42: {  	_ =	shalt  }
0x43: {  	_ =	shalt  }
0x44: {  	_ =	shalt  }
0x45: {  	_ =	shalt  }
0x46: {  	_ =	shalt  }
0x47: {  	_ =	shalt  }
0x48: {  	_ =	shalt  }
0x49: {  	_ =	shalt  }
0x4a: {  	_ =	shalt  }
0x4b: {  	_ =	shalt  }
0x4c: {  	_ =	shalt  }
0x4d: {  	_ =	shalt  }
0x4e: {  	_ =	shalt  }
0x4f: {  	_ =	shalt  }
0x50: {  	_ =	shalt  }
0x51: {  	_ =	shalt  }
0x52: {  	_ =	shalt  }
0x53: {  	_ =	shalt  }
0x54: {  	_ =	shalt  }
0x55: {  	_ =	shalt  }
0x56: {  	_ =	shalt  }
0x57: {  	_ =	shalt  }
0x58: {  	_ =	shalt  }
0x59: {  	_ =	shalt  }
0x5a: {  	_ =	shalt  }
0x5b: {  	_ =	shalt  }
0x5c: {  	_ =	shalt  }
0x5d: {  	_ =	shalt  }
0x5e: {  	_ =	shalt  }
0x5f: {  	_ =	shalt  }
0x60: {  	_ =	shalt  }
0x61: {  	_ =	shalt  }
0x62: {  	_ =	shalt  }
0x63: {  	_ =	shalt  }
0x64: {  	_ =	shalt  }
0x65: {  	_ =	shalt  }
0x66: {  	_ =	shalt  }
0x67: {  	_ =	shalt  }
0x68: {  	_ =	shalt  }
0x69: {  	_ =	shalt  }
0x6a: {  	_ =	shalt  }
0x6b: {  	_ =	shalt  }
0x6c: {  	_ =	shalt  }
0x6d: {  	_ =	shalt  }
0x6e: {  	_ =	shalt  }
0x6f: {  	_ =	shalt  }
0x70: {  	_ =	shalt  }
0x71: {  	_ =	shalt  }
0x72: {  	_ =	shalt  }
0x73: {  	_ =	shalt  }
0x74: {  	_ =	shalt  }
0x75: {  	_ =	shalt  }
0x76: {  	_ =	shalt  }
0x77: {  	_ =	shalt  }
0x78: {  	_ =	shalt  }
0x79: {  	_ =	shalt  }
0x7a: {  	_ =	shalt  }
0x7b: {  	_ =	shalt  }
0x7c: {  	_ =	shalt  }
0x7d: {  	_ =	shalt  }
0x7e: {  	_ =	shalt  }
0x7f: {  	_ =	shalt  }
0x80: {  	_ =	shalt  }
0x81: {  	_ =	shalt  }
0x82: {  	_ =	shalt  }
0x83: {  	_ =	shalt  }
0x84: {  	_ =	shalt  }
0x85: {  	_ =	shalt  }
0x86: {  	_ =	shalt  }
0x87: {  	_ =	shalt  }
.Lfunc_end0:
.L_simem_size_0:
called_computation_lowered:
.L_overlay_start_0:
0x88: {  	s2 =	sld [smem:$0x3FD9]  }
0x89: {  	s3 =	sld [smem:$0x3FFE];
	_ =	sdelay $0x1  }
0x8a: {  	s1 =	srdreg.scid  }
0x8b: {  	s0 =	sand.u32 $0x1, s1  }
0x8c: {  	s17 =	sshll.u32 s0, $0xA;
	s2 =	sadd.s32 s3, s2  }
0x8d: {  	s2 =	sadd.s32 s2, s17  }
0x8e: {  	[smem:$0x3FC4] =	sst s2  }
0x8f: {  	_ = 	snop  }
0x90: {  	s2 =	sld [smem:$0x3FD0];
	(tm) =	ssettm $0x1  }
0x91: {  	s18 =	sld [smem:$0x3FFB];
	_ =	sdelay $0x3  }
0x92: {  	_ =	strace s18  }
0x93: {  	s3 =	sld [smem:$0x3FFC];
	_ =	sdelay $0x3  }
0x94: {  	_ =	strace s3  }
0x95: {  	s3 =	sld [smem:$0x3FFD];
	_ =	sdelay $0x3  }
0x96: {  	_ =	strace s3  }
0x97: {  	_ =	strace $0x8FFFFFFF  }
0x98: {  	s19 =	sld [smem:$0x3FDB];
	_ =	sdelay $0x1  }
0x99: {  	s4 =	simm.s32 $_scs_section_size  }
0x9a: {  	s5 =	simm.s32 $_size__tile_overlayer_lowered;
	s6 =	simm.s32 $_tile_overlayer_lowered  }
0x9b: {  	s22 =	simm.s32 $0x1BFF;
	s21 =	sshll.u32 s6, $0x1;
	s3 =	sadd.s32 s4, s19  }
0x9c: {  	s7 =	simm.s32 $0x0;
	s20 =	sshll.u32 s5, $0x1;
	s5 =	sadd.s32 s21, s3  }
0x9d: {  	[timem:s7], [sflag:s22] =	dma.local [hbm:s5], s20  }
0x9e: {  	_ =	swait.ge [sflag:s22], s20  }
0x9f: {  	s4 =	ssub.s32 $0x0, s20;
	[sflag:s22] =	ssyncset.done $0x0  }
0xa0: {  	[sflag:s22] =	ssyncadd.s32 s4;
	_ =	sdelay $0x1  }
0xa1: {  	s23 =	simm.s32 $0x1B8B  }
0xa2: {  	_ =	swait.ge [sflag:s23], $0x1  }
0xa3: {  	[sflag:s23] =	ssyncset.done $0x0  }
0xa4: {  	s25 =	simm.s32 $0x1B8E;
	s24 =	sld [smem:$0x3FFE];
	[sflag:s23] =	ssyncadd.s32 $0xFFFFFFFF  }
0xa5: {  	s26 =	simm.s32 $execute0_lowered;
	[smem:$0x3FD2] =	sst s25  }
0xa6: {  	s5 =	sshll.u32 s26, $0x1;
	_ =	strace $0x80000046;
	[dreg:$0x1] =	wrdreg $0xFFFFFFFF  }
0xa7: {  	s28 =	simm.s32 $_size_execute0_lowered;
	s3 =	sadd.s32 s3, s5;
	[dreg:$0x0] =	wrdreg $0x0  }
0xa8: {  	s5 =	sshll.u32 s28, $0x1;
	[dreg:$0x2] =	wrdreg s3  }
0xa9: {  	[dreg:$0x3] =	wrdreg s5  }
0xaa: {  	[dreg:$0x4] =	wrdreg $0xC0  }
0xab: {  	_ =	task [dreg:s7], $0x5FFFF  }
0xac: {  	[dreg:$0x1] =	wrdreg $0xFFFFFFFF  }
0xad: {  	[dreg:$0x0] =	wrdreg $0x60  }
0xae: {  	[dreg:$0x2] =	wrdreg s24  }
0xaf: {  	[dreg:$0x3] =	wrdreg s2  }
0xb0: {  	[dreg:$0x4] =	wrdreg $0xA1000  }
0xb1: {  	[dreg:$0x5] =	wrdreg $0x9  }
0xb2: {  	_ =	task.clear_ibuf [dreg:s7], $0x6FFFF;
	_ =	strace $0x90000046  }
0xb3: {  	s29 =	simm.s32 $0x9;
	_ =	strace $0x80000048  }
0xb4: {  	_ =	swait.ge [sflag:s29], $0x1  }
0xb5: {  	[sflag:s29] =	ssyncadd.s32 $0xFFFFFFFF  }
0xb6: {  	_ =	strace $0x90000048  }
0xb7: {  	_ =	sfence  }
0xb8: {  	s30 =	sld [smem:$0x0];
	_ =	sdelay $0x2  }
0xb9: {  	s31 =	sshll.u32 s1, $0xD;
	s1 =	sshrl.u32 s1, $0x2  }
0xba: {  	s3 =	sand.u32 $0x4000, s31;
	s1 =	sadd.s32 s1, s30  }
0xbb: {  	s0 =	sor.u32 s3, s0;
	s1 =	sshll.u32 s1, $0x11  }
0xbc: {  	s0 =	sor.u32 s1, s0  }
0xbd: {  	s0 =	sadd.s32 $0x8F2B, s0  }
0xbe: {  	[sflag:s0] =	ssyncadd.remote.s32 $0x1  }
0xbf: {  	_ =	sfence.sel $0xFFFF  }
0xc0: {  	[dreg:$0x0] =	wrdreg $0xFFFFFFFF;
	(pc) =	sbr.abs _section_cstart, $3  }
0xc1: {  	[dreg:$0x1] =	wrdreg $0xFFFFFFFF  }
0xc2: {  	_ =	task.clear_ibuf [dreg:s7], $0x2FFFF;
	_ =	strace $0x9FFFFFFF  }
0xc3: {  	(tm) =	ssettm $0x7FFFFFFF  }
tec
execute0_lowered:
.L_overlay_start_1:
0x0: {  	(tag) =	ssettag $0x1  }
0x1: {  	s0 =	srdreg.scid;
	s1 =	rddreg [dreg:$0x0]  }
0x2: {  	s12 =	stileid.u32;
	s2 =	rddreg [dreg:$0x1];
	s4 =	simm.s32 $0x0  }
0x3: {  	s28 =	simm.s32 $0x1;
	s29 =	simm.s32 $0x5;
	s30 =	simm.s32 $0x2  }
0x4: {  	s31 =	simm.s32 $0x6;
	s0 =	sand.u32 $0x1, s0;
	s8 =	smul.u32 $0x13C00, s12  }
0x5: {  	[smem:$0x7FF] =	sst s4;
	s5 =	sadd.s32 $0xA800, s1;
	s17 =	smul.u32 $0x4F000, s12  }
0x6: {  	s3 =	sshll.u32 s0, $0x4;
	s9 =	smul.u32 $0x13C000, s0;
	s10 =	ssub.s32 $0x2, s0  }
0x7: {  	s0 =	smul.u32 $0x3F000, s0;
	s6 =	sor.u32 s12, s3;
	s3 =	rddreg [dreg:$0x2]  }
0x8: {  	_ =	strace $0x80000047;
	s11 =	sshrl.u32 s10, $0x1;
	s12 =	smul.u32 $0x3F00, s12  }
0x9: {  	s20 =	sshrl.u32 s17, $0x2;
	s17 =	simm.s32 $0x7;
	s7 =	smul.u32 $0x4EC, s6  }
0xa: {  	s9 =	sadd.s32 s8, s9;
	s8 =	sshrl.u32 s8, $0x3;
	s6 =	smul.u32 $0x3F00, s6  }
0xb: {  	s10 =	ssub.s32 s10, s11;
	s9 =	sshrl.u32 s9, $0x3;
	s8 =	sadd.s32 s8, s1  }
0xc: {  	s0 =	sadd.s32 s12, s0;
	s25 =	smax.u32 s10, $0x1;
	s7 =	sadd.s32 s7, s1  }
0xd: {  	s1 =	sadd.s32 s9, s1;
	s6 =	sshrl.u32 s6, $0x3;
	s21 =	sadd.s32 $0x31A00, s8  }
0xe: {  	s22 =	sadd.s32 $0x280, s0;
	s24 =	sadd.s32 $0x200, s0;
	[dreg:$0xa] =	wrdreg s25  }
0xf: {  	s16 =	sadd.s32 $0x180, s0;
	s25 =	simm.s32 $0x7900;
	s0 =	simm.s32 $0x0  }
0x10: {  	s6 =	sadd.s32 s2, s6;
	s7 =	sadd.s32 $0xA00, s7;
	[dreg:$0x8] =	wrdreg s21  }
0x11: {  	s1 =	sadd.s32 $0x59200, s1;
	s23 =	sshrl.u32 s22, $0x3;
	s26 =	sshrl.u32 s24, $0x3  }
0x12: {  	s21 =	simm.s32 $0x2800;
	s22 =	simm.s32 $0x5100;
	[dreg:$0x4] =	wrdreg s7  }
0x13: {  	s18 =	sadd.s32 $0x10, s6;
	s19 =	sadd.s32 $0x20, s6;
	s7 =	sadd.s32 s20, s3  }
0x14: {  	[dreg:$0x9] =	wrdreg s1;
	s14 =	sadd.s32 s23, s2;
	s15 =	sadd.s32 s26, s2  }
0x15: {  	s20 =	simm.s32 $0x2900;
	s23 =	simm.s32 $0x2880;
	[dreg:$0x5] =	wrdreg s18  }
0x16: {  	s26 =	simm.s32 $0x4;
	s1 =	simm.s32 $0x3;
	[dreg:$0x6] =	wrdreg s19  }
0x17: {  	[dreg:$0x7] =	wrdreg s7;
	s18 =	simm.s32 $0x2780;
	s19 =	simm.s32 $0x50  }
.LBB2_1:
0x18: {  	s7 =	rddreg [dreg:$0x4]  }
0x19: {  	[tilespmem:s4], [sflag:$0x7] =	stream.linear.gather [hbm4b:s7+s4], $0x2760, $0x38;
	[tilespmem:$0x1DD00] =	vst v63  }
0x1a: {  	_ =	swait.ge [sflag:s17], $0x2760  }
0x1b: {  	[sflag:s17] =	ssyncset.done $0x0  }
0x1c: {  	[sflag:s17] =	ssyncadd.s32 $0xFFFFD8A0  }
0x1d: {  	[tilespmem:s18], [sflag:$0x4] =	stream.linear.gather [hbm4b:s6+s4], $0x80, $0x38;
	[tilespmem:$0x1DD00] =	vst v63  }
0x1e: {  	_ = 	snop  }
0x1f: {  	[tilespmem:s20], [sflag:$0x1] =	stream.indirect.gather [hbm4b:s5+s19], $0x80, s4, s19, $0xb8;
	[tilespmem:$0x1DD00] =	vst v63  }
0x20: {  	s13 =	rddreg [dreg:$0x5]  }
0x21: {  	[tilespmem:s21], [sflag:$0x5] =	stream.linear.gather [hbm4b:s13+s4], $0x80, $0x38;
	[tilespmem:$0x1DD00] =	vst v63  }
0x22: {  	_ = 	snop  }
0x23: {  	[tilespmem:s22], [sflag:$0x2] =	stream.indirect.gather [hbm4b:s5+s19], $0x80, s19, s19, $0xb8;
	[tilespmem:$0x1DD00] =	vst v63  }
0x24: {  	s9 =	stileid.u32;
	s24 =	rddreg [dreg:$0x6]  }
0x25: {  	[tilespmem:s23], [sflag:$0x6] =	stream.linear.gather [hbm4b:s24+s4], $0x80, $0x38;
	[tilespmem:$0x1DD00] =	vst v63  }
0x26: {  	s8 =	simm.s32 $0xA0;
	s7 =	sshll.u32 s9, $0x6;
	s10 =	rddreg [dreg:$0x7]  }
0x27: {  	[tilespmem:s25], [sflag:$0x3] =	stream.indirect.gather [hbm4b:s5+s19], $0x80, s8, s19, $0xb8;
	[tilespmem:$0x1DD00] =	vst v63  }
0x28: {  	s24 =	sor.u32 $0x1C07, s7;
	s7 =	sshrl.u32 s10, $0x3;
	s8 =	rddreg [dreg:$0x8]  }
0x29: {  	[spmem:s7], [sflag:s24] =	dma.local [hbm:s8], $0x2780  }
0x2a: {  	_ =	swait.ge [sflag:s17], $0x2780  }
0x2b: {  	[sflag:s17] =	ssyncset.done $0x0  }
0x2c: {  	[sflag:s17] =	ssyncadd.s32 $0xFFFFD880  }
0x2d: {  	[bflag:$0x0] =	sbarrier.arrive $0xFFFF  }
0x2e: {  	_ =	swait.ge [sflag:s26], $0x80  }
0x2f: {  	[sflag:s26] =	ssyncset.done $0x0  }
0x30: {  	[sflag:s26] =	ssyncadd.s32 $0xFFFFFF80  }
0x31: {  	_ =	swait.ge [sflag:s28], $0x2800  }
0x32: {  	[sflag:s28] =	ssyncset.done $0x0  }
0x33: {  	[sflag:s28] =	ssyncadd.s32 $0xFFFFD800  }
0x34: {  	[spmem:s3] =	stream.indirect.scatter.add.f32 [tilespmem:s20], [sflag:$0x7], $0x80, s18, s19, $0xb8;
	[tilespmem:$0x1DD00] =	vst v63  }
0x35: {  	_ =	swait.ge [sflag:s17], $0x2800  }
0x36: {  	s11 =	sshrl.u32 s16, $0x3;
	[sflag:s17] =	ssyncset.done $0x0  }
0x37: {  	s8 =	sadd.s32 s2, s11;
	[sflag:s17] =	ssyncadd.s32 $0xFFFFD800  }
0x38: {  	[tilespmem:s18], [sflag:$0x4] =	stream.linear.gather [hbm4b:s8+s4], $0x80, $0x38;
	[tilespmem:$0x1DD00] =	vst v63  }
0x39: {  	s12 =	simm.s32 $0xF0  }
0x3a: {  	[tilespmem:s20], [sflag:$0x1] =	stream.indirect.gather [hbm4b:s5+s19], $0x80, s12, s19, $0xb8;
	[tilespmem:$0x1DD00] =	vst v63  }
0x3b: {  	_ =	swait.ge [sflag:s29], $0x80  }
0x3c: {  	[sflag:s29] =	ssyncset.done $0x0  }
0x3d: {  	[sflag:s29] =	ssyncadd.s32 $0xFFFFFF80  }
0x3e: {  	_ =	swait.ge [sflag:s30], $0x2800  }
0x3f: {  	[sflag:s30] =	ssyncset.done $0x0  }
0x40: {  	[sflag:s30] =	ssyncadd.s32 $0xFFFFD800  }
0x41: {  	[spmem:s3] =	stream.indirect.scatter.add.f32 [tilespmem:s22], [sflag:$0x7], $0x80, s21, s19, $0xb8;
	[tilespmem:$0x1DD00] =	vst v63  }
0x42: {  	_ =	swait.ge [sflag:s17], $0x2800  }
0x43: {  	[sflag:s17] =	ssyncset.done $0x0  }
0x44: {  	[sflag:s17] =	ssyncadd.s32 $0xFFFFD800  }
0x45: {  	[tilespmem:s21], [sflag:$0x5] =	stream.linear.gather [hbm4b:s15+s4], $0x80, $0x38;
	[tilespmem:$0x1DD00] =	vst v63  }
0x46: {  	s13 =	simm.s32 $0x140  }
0x47: {  	[tilespmem:s22], [sflag:$0x2] =	stream.indirect.gather [hbm4b:s5+s19], $0x80, s13, s19, $0xb8;
	[tilespmem:$0x1DD00] =	vst v63  }
0x48: {  	_ =	swait.ge [sflag:s31], $0x80  }
0x49: {  	[sflag:s31] =	ssyncset.done $0x0  }
0x4a: {  	[sflag:s31] =	ssyncadd.s32 $0xFFFFFF80  }
0x4b: {  	_ =	swait.ge [sflag:s1], $0x2800  }
0x4c: {  	[sflag:s1] =	ssyncset.done $0x0  }
0x4d: {  	[sflag:s1] =	ssyncadd.s32 $0xFFFFD800  }
0x4e: {  	[spmem:s3] =	stream.indirect.scatter.add.f32 [tilespmem:s25], [sflag:$0x7], $0x80, s23, s19, $0xb8;
	[tilespmem:$0x1DD00] =	vst v63  }
0x4f: {  	s9 =	sadd.s32 $0x180, s16;
	_ =	swait.ge [sflag:s17], $0x2800  }
0x50: {  	s10 =	sadd.s32 $0x30, s14;
	s11 =	sadd.s32 $0x30, s15;
	[sflag:s17] =	ssyncset.done $0x0  }
0x51: {  	s8 =	simm.s32 $0x3C0;
	s12 =	simm.s32 $0x190;
	[sflag:s17] =	ssyncadd.s32 $0xFFFFD800  }
0x52: {  	[tilespmem:s23], [sflag:$0x6] =	stream.linear.gather [hbm4b:s14+s4], $0x80, $0x38;
	[tilespmem:$0x1DD00] =	vst v63  }
.LBB2_2:
0x53: {  	[tilespmem:s25], [sflag:$0x3] =	stream.indirect.gather [hbm4b:s5+s19], $0x80, s12, s19, $0xb8;
	[tilespmem:$0x1DD00] =	vst v63  }
0x54: {  	s12 =	smov.u32 s8  }
0x55: {  	p0 =	sne.s32 s8, $0x9600;
	s8 =	sadd.s32 $0x3C0, s8;
	_ =	swait.ge [sflag:s26], $0x80  }
0x56: {  	[sflag:s26] =	ssyncset.done $0x0  }
0x57: {  	[sflag:s26] =	ssyncadd.s32 $0xFFFFFF80  }
0x58: {  	_ =	swait.ge [sflag:s28], $0x2800  }
0x59: {  	[sflag:s28] =	ssyncset.done $0x0  }
0x5a: {  	[sflag:s28] =	ssyncadd.s32 $0xFFFFD800  }
0x5b: {  	[spmem:s3] =	stream.indirect.scatter.add.f32 [tilespmem:s20], [sflag:$0x7], $0x80, s18, s19, $0xb8;
	[tilespmem:$0x1DD00] =	vst v63  }
0x5c: {  	_ =	swait.ge [sflag:s17], $0x2800  }
0x5d: {  	s13 =	sshrl.u32 s9, $0x3;
	[sflag:s17] =	ssyncset.done $0x0  }
0x5e: {  	s13 =	sadd.s32 s2, s13;
	s12 =	sshra.s32 s12, $0x2;
	[sflag:s17] =	ssyncadd.s32 $0xFFFFD800  }
0x5f: {  	[tilespmem:s18], [sflag:$0x4] =	stream.linear.gather [hbm4b:s13+s4], $0x80, $0x38;
	[tilespmem:$0x1DD00] =	vst v63  }
0x60: {  	s13 =	sadd.s32 $0xF0, s12  }
0x61: {  	[tilespmem:s20], [sflag:$0x1] =	stream.indirect.gather [hbm4b:s5+s19], $0x80, s13, s19, $0xb8;
	[tilespmem:$0x1DD00] =	vst v63  }
0x62: {  	_ =	swait.ge [sflag:s29], $0x80  }
0x63: {  	[sflag:s29] =	ssyncset.done $0x0  }
0x64: {  	[sflag:s29] =	ssyncadd.s32 $0xFFFFFF80  }
0x65: {  	_ =	swait.ge [sflag:s30], $0x2800  }
0x66: {  	[sflag:s30] =	ssyncset.done $0x0  }
0x67: {  	[sflag:s30] =	ssyncadd.s32 $0xFFFFD800  }
0x68: {  	[spmem:s3] =	stream.indirect.scatter.add.f32 [tilespmem:s22], [sflag:$0x7], $0x80, s21, s19, $0xb8;
	[tilespmem:$0x1DD00] =	vst v63  }
0x69: {  	_ =	swait.ge [sflag:s17], $0x2800  }
0x6a: {  	[sflag:s17] =	ssyncset.done $0x0  }
0x6b: {  	[sflag:s17] =	ssyncadd.s32 $0xFFFFD800  }
0x6c: {  	[tilespmem:s21], [sflag:$0x5] =	stream.linear.gather [hbm4b:s11+s4], $0x80, $0x38;
	[tilespmem:$0x1DD00] =	vst v63  }
0x6d: {  	s13 =	sadd.s32 $0x140, s12  }
0x6e: {  	[tilespmem:s22], [sflag:$0x2] =	stream.indirect.gather [hbm4b:s5+s19], $0x80, s13, s19, $0xb8;
	[tilespmem:$0x1DD00] =	vst v63  }
0x6f: {  	_ =	swait.ge [sflag:s31], $0x80  }
0x70: {  	[sflag:s31] =	ssyncset.done $0x0  }
0x71: {  	[sflag:s31] =	ssyncadd.s32 $0xFFFFFF80  }
0x72: {  	_ =	swait.ge [sflag:s1], $0x2800  }
0x73: {  	[sflag:s1] =	ssyncset.done $0x0  }
0x74: {  	[sflag:s1] =	ssyncadd.s32 $0xFFFFD800  }
0x75: {  	[spmem:s3] =	stream.indirect.scatter.add.f32 [tilespmem:s25], [sflag:$0x7], $0x80, s23, s19, $0xb8;
	[tilespmem:$0x1DD00] =	vst v63  }
.Ltmp0:
0x76: {  	_ =	swait.ge [sflag:s17], $0x2800;
	(pc) =	sbr.rel @p0 .LBB2_2-.Ltmp0, $4  }
0x77: {  	[sflag:s17] =	ssyncset.done $0x0  }
0x78: {  	s9 =	sadd.s32 $0x180, s9;
	[sflag:s17] =	ssyncadd.s32 $0xFFFFD800  }
0x79: {  	[tilespmem:s23], [sflag:$0x6] =	stream.linear.gather [hbm4b:s10+s4], $0x80, $0x38;
	[tilespmem:$0x1DD00] =	vst v63  }
0x7a: {  	s12 =	sadd.s32 $0x190, s12;
	s11 =	sadd.s32 $0x30, s11;
	s10 =	sadd.s32 $0x30, s10  }
0x7b: {  	[tilespmem:s25], [sflag:$0x3] =	stream.indirect.gather [hbm4b:s5+s19], $0x80, s12, s19, $0xb8;
	[tilespmem:$0x1DD00] =	vst v63  }
0x7c: {  	_ =	swait.ge [sflag:s26], $0x80  }
0x7d: {  	[sflag:s26] =	ssyncset.done $0x0  }
0x7e: {  	[sflag:s26] =	ssyncadd.s32 $0xFFFFFF80  }
0x7f: {  	_ =	swait.ge [sflag:s28], $0x2800  }
0x80: {  	[sflag:s28] =	ssyncset.done $0x0  }
0x81: {  	[sflag:s28] =	ssyncadd.s32 $0xFFFFD800  }
0x82: {  	[spmem:s3] =	stream.indirect.scatter.add.f32 [tilespmem:s20], [sflag:$0x7], $0x80, s18, s19, $0xb8;
	[tilespmem:$0x1DD00] =	vst v63  }
0x83: {  	_ =	swait.ge [sflag:s17], $0x2800  }
0x84: {  	[sflag:s17] =	ssyncset.done $0x0  }
0x85: {  	[sflag:s17] =	ssyncadd.s32 $0xFFFFD800  }
0x86: {  	_ =	swait.ge [sflag:s29], $0x80  }
0x87: {  	[sflag:s29] =	ssyncset.done $0x0  }
0x88: {  	[sflag:s29] =	ssyncadd.s32 $0xFFFFFF80  }
0x89: {  	_ =	swait.ge [sflag:s30], $0x2800  }
0x8a: {  	[sflag:s30] =	ssyncset.done $0x0  }
0x8b: {  	[sflag:s30] =	ssyncadd.s32 $0xFFFFD800  }
0x8c: {  	[spmem:s3] =	stream.indirect.scatter.add.f32 [tilespmem:s22], [sflag:$0x7], $0x80, s21, s19, $0xb8;
	[tilespmem:$0x1DD00] =	vst v63  }
0x8d: {  	_ =	swait.ge [sflag:s17], $0x2800  }
0x8e: {  	[sflag:s17] =	ssyncset.done $0x0  }
0x8f: {  	[sflag:s17] =	ssyncadd.s32 $0xFFFFD800  }
0x90: {  	_ =	swait.ge [sflag:s31], $0x80  }
0x91: {  	[sflag:s31] =	ssyncset.done $0x0  }
0x92: {  	[sflag:s31] =	ssyncadd.s32 $0xFFFFFF80  }
0x93: {  	_ =	swait.ge [sflag:s1], $0x2800  }
0x94: {  	[sflag:s1] =	ssyncset.done $0x0  }
0x95: {  	[sflag:s1] =	ssyncadd.s32 $0xFFFFD800  }
0x96: {  	[spmem:s3] =	stream.indirect.scatter.add.f32 [tilespmem:s25], [sflag:$0x7], $0x80, s23, s19, $0xb8;
	[tilespmem:$0x1DD00] =	vst v63  }
0x97: {  	_ =	swait.ge [sflag:s17], $0x2800  }
0x98: {  	[sflag:s17] =	ssyncset.done $0x0  }
0x99: {  	[sflag:s17] =	ssyncadd.s32 $0xFFFFD800  }
0x9a: {  	[bflag:$0x0] =	sbarrier.arrive $0xFFFF  }
0x9b: {  	s8 =	rddreg [dreg:$0x9]  }
0x9c: {  	[hbm:s8], [sflag:s24] =	dma.local [spmem:s7], $0x2780  }
0x9d: {  	_ =	swait.ge [sflag:s17], $0x2780  }
0x9e: {  	s0 =	sadd.s32 $0x1, s0;
	s24 =	rddreg [dreg:$0xa]  }
0x9f: {  	p0 =	sne.s32 s0, s24  }
.Ltmp1:
0xa0: {  	_ = 	snop;
	(pc) =	sbr.rel @p0 .LBB2_1-.Ltmp1, $3  }
0xa1: {  	_ =	sdelay $0x1  }
0xa2: {  	[sflag:s17] =	ssyncset.done $0x0  }
0xa3: {  	[sflag:s17] =	ssyncadd.s32 $0xFFFFD880  }
0xa4: {  	_ =	sfence.sel $0x180000  }
0xa5: {  	[bflag:$0x0] =	sbarrier.arrive $0xFFFF  }
0xa6: {  	_ =	strace $0x90000047  }
0xa7: {  	s0 =	stileid.u32;
	[bflag:$0x2] =	sbarrier.arrive $0xFFFF  }
0xa8: {  	p0 =	sne.s32 s0, $0x0;
	s0 =	rddreg [dreg:$0x3]  }
0xa9: {  	s0 =	sadd.s32 @!p0 $0x100000, s0  }
0xaa: {  	[sflag:s0] =	ssyncadd.tile.s32 @!p0 $0x1;
	_ =	shalt  }
.Lfunc_end2:
_tile_overlayer_lowered:
.L_overlay_start_2:
0xab: {  	(tag) =	ssettag $0x2  }
0xac: {  	s0 =	rddreg [dreg:$0x0];
	s2 =	stileid.u32  }
0xad: {  	s1 =	rddreg [dreg:$0x1];
	p0 =	sne.s32 s2, $0x0  }
0xae: {  	s3 =	rddreg [dreg:$0x2];
	[bflag:$0x3] =	sbarrier.arrive $0xFFFF;
	s2 =	simm.s32 @!p0 $0x1C07  }
0xaf: {  	[timem:s3], [sflag:s2] =	dma.local @!p0 [hbm:s0], s1  }
0xb0: {  	s0 =	simm.s32 @!p0 $0x7  }
0xb1: {  	_ =	swait.ge @!p0 [sflag:s0], s1  }
0xb2: {  	s1 =	ssub.s32 @!p0 $0x0, s1;
	[sflag:s0] =	ssyncset.done @!p0 $0x0  }
0xb3: {  	[sflag:s0] =	ssyncadd.s32 @!p0 s1  }
0xb4: {  	[bflag:$0x3] =	sbarrier.arrive $0xFFFF  }
0xb5: {  	_ =	shalt  }

</sc_bundles>
